<compile_context>
chip_gen: v7x
topology: tpu7x:2x2x1
jax: 0.10.2.dev20260603
libtpu: 0.0.44.dev20260713+nightly
codegen_flags: <defaults>
</compile_context>

<pallas_src>
import functools

import jax
import jax.numpy as jnp
from jax import lax
from jax.experimental import pallas as pl
from jax.experimental.pallas import tpu as pltpu
from jax.experimental.pallas import tpu_sc as plsc

_NUM_EMB = 512

_BB = 8


def _vq_step(z_ref, emb2b_ref, z2_ref, e2_ref,
             idx_ref, loss_ref):
    emb2b = emb2b_ref[...]
    e2 = e2_ref[...]
    k = _NUM_EMB

    for i in range(_BB):
        zb = z_ref[i]
        z2 = z2_ref[i]
        hw = zb.shape[1]

        scores2 = lax.dot_general(
            emb2b, zb.astype(jnp.bfloat16), (((1,), (0,)), ((), ())),
            preferred_element_type=jnp.float32,
        )
        dist = (z2 + e2) - scores2

        minv = jnp.min(dist, axis=0, keepdims=True)
        kiota = lax.broadcasted_iota(jnp.int32, (k, hw), 0)
        idx = jnp.min(jnp.where(dist == minv, kiota, k),
                      axis=0, keepdims=True)

        idx_ref[i] = idx
        loss_ref[pl.program_id(0) * _BB + i, 0] = jnp.sum(minv)


def _sc_gather(table, idx):
    info = plsc.get_sparse_core_info()
    nw = info.num_cores * info.num_subcores
    n = idx.shape[0]
    d = table.shape[1]
    b_per_w = n // nw
    chunk = 256
    mesh = plsc.VectorSubcoreMesh(core_axis_name="c", subcore_axis_name="s")

    @functools.partial(
        pl.kernel, mesh=mesh,
        out_type=jax.ShapeDtypeStruct((n, d), jnp.float32),
        scratch_types=[
            pltpu.VMEM((chunk,), jnp.int32),
            pltpu.VMEM((chunk, d), jnp.float32),
            pltpu.SemaphoreType.DMA,
        ],
    )
    def k(table_hbm, idx_hbm, out_hbm, idx_v, rows_v, sem):
        wid = lax.axis_index("s") * info.num_cores + lax.axis_index("c")
        base = wid * b_per_w
        for j in range(b_per_w // chunk):
            off = base + j * chunk
            pltpu.sync_copy(idx_hbm.at[pl.ds(off, chunk)], idx_v)
            pltpu.async_copy(table_hbm.at[idx_v], rows_v, sem).wait()
            pltpu.sync_copy(rows_v, out_hbm.at[pl.ds(off, chunk)])

    return k(table, idx)


def kernel(z, embedding):
    B, C, H, W = z.shape
    HW = H * W
    K = embedding.shape[0]
    z3 = z.reshape(B, C, HW)
    z2 = jnp.sum(z * z, axis=1).reshape(B, 1, HW)
    e2 = jnp.sum(embedding * embedding, axis=1).reshape(K, 1)
    emb2b = (2.0 * embedding).astype(jnp.bfloat16)

    idx3, loss_parts = pl.pallas_call(
        _vq_step,
        grid=(B // _BB,),
        in_specs=[
            pl.BlockSpec((_BB, C, HW), lambda b: (b, 0, 0)),
            pl.BlockSpec((K, C), lambda b: (0, 0)),
            pl.BlockSpec((_BB, 1, HW), lambda b: (b, 0, 0)),
            pl.BlockSpec((K, 1), lambda b: (0, 0)),
        ],
        out_specs=[
            pl.BlockSpec((_BB, 1, HW), lambda b: (b, 0, 0)),
            pl.BlockSpec(memory_space=pltpu.SMEM, block_shape=(B, 1),
                         index_map=lambda b: (0, 0)),
        ],
        out_shape=[
            jax.ShapeDtypeStruct((B, 1, HW), jnp.int32),
            jax.ShapeDtypeStruct((B, 1), jnp.float32),
        ],
    )(z3, emb2b, z2, e2)

    idx_flat = idx3.reshape(B * HW)
    table_pad = jnp.pad(embedding, ((0, 0), (0, 128 - C)))
    qflat = _sc_gather(table_pad, idx_flat)
    quantized_st_t = (qflat[:, :C].reshape(B, HW, C)
                      .transpose(0, 2, 1).reshape(B, C, H, W))
    loss = jnp.sum(loss_parts) / (B * C * HW)
    encoding_indices = idx3.reshape(B, H, W)
    return quantized_st_t, loss, loss, encoding_indices

# --- scband reference (transcript-rebuilt; emitter-appended) ---
"""Pipeline reference for scband-vector-quantizer-15994458210386 (READ-ONLY COPY).

The authoritative reference and input builder live on the scoring server;
editing this copy changes nothing except your own understanding.
"""

import jax, jax.numpy as jnp
import numpy as np

NUM_EMBEDDINGS = 512
EMBEDDING_DIM = 64

def setup_inputs(seed: int = 0) -> dict:
    key = jax.random.key(seed)
    k1, k2 = jax.random.split(key)
    z = jax.random.normal(k1, (64, EMBEDDING_DIM, 32, 32), dtype=jnp.float32)
    # embedding weight init: uniform(-1/K, 1/K)
    embedding = jax.random.uniform(k2, (NUM_EMBEDDINGS, EMBEDDING_DIM), dtype=jnp.float32,
                                   minval=-1.0 / NUM_EMBEDDINGS, maxval=1.0 / NUM_EMBEDDINGS)
    return {"z": z, "embedding": embedding}

def reference(z, embedding):
    B, C, H, W = z.shape
    zp = jnp.transpose(z, (0, 2, 3, 1))  # [B, H, W, C]
    flat_z = zp.reshape(-1, C)
    distances = (jnp.sum(flat_z ** 2, axis=1, keepdims=True)
                 + jnp.sum(embedding ** 2, axis=1)
                 - 2.0 * flat_z @ embedding.T)
    encoding_indices = jnp.argmin(distances, axis=1)  # [N]
    # one-hot @ codebook == gather of codebook rows (maps to SparseCore gather)
    quantized = jnp.take(embedding, encoding_indices, axis=0).reshape(zp.shape)
    quantized_st = zp + jax.lax.stop_gradient(quantized - zp)
    quantized_t = jnp.transpose(quantized, (0, 3, 1, 2))
    quantized_st_t = jnp.transpose(quantized_st, (0, 3, 1, 2))
    z_orig = jnp.transpose(zp, (0, 3, 1, 2))
    vq_loss = jnp.mean((jax.lax.stop_gradient(quantized_t) - z_orig) ** 2)
    commitment_loss = jnp.mean((quantized_t - jax.lax.stop_gradient(z_orig)) ** 2)
    return (quantized_st_t, vq_loss, commitment_loss,
            encoding_indices.reshape(B, H, W))

if __name__ == "__main__":
    import jax
    _d = setup_inputs()
    print(jax.jit(kernel)(*tuple(_d.values())))

</pallas_src>

<mosaic_0001>
#map = affine_map<(d0, d1) -> (0, 0)>
#map1 = affine_map<(d0, d1) -> (0)>
module attributes {stable_mosaic.version = 14 : i64} {
  func.func @k(%arg0: i32, %arg1: i32, %arg2: memref<512x128xf32, #tpu.memory_space<hbm>>, %arg3: memref<65536xi32, #tpu.memory_space<hbm>>, %arg4: memref<65536x128xf32, #tpu.memory_space<hbm>>, %arg5: memref<256xi32, #tpu.memory_space<vmem>>, %arg6: memref<256x128xf32, #tpu.memory_space<vmem>>, %arg7: memref<!tpu.dma_semaphore, #tpu.memory_space<semaphore_mem>>) attributes {dimension_semantics = [#tpu.dimension_semantics<core_parallel>, #tpu.dimension_semantics<subcore_parallel>], iteration_bounds = array<i64: 2, 16>, scalar_prefetch = 0 : i64, scratch_operands = 3 : i64, tpu.core_type = #tpu.core_type<sc_vector_subcore>, window_params = [{transform_indices = #map}, {transform_indices = #map1}, {transform_indices = #map}]} {
    %mul3A = arith.constant 2 : i32
    %mul3A_0 = arith.muli %arg1, %mul3A : i32
    %add3A = arith.addi %mul3A_0, %arg0 : i32
    %mul3A_1 = arith.constant 2048 : i32
    %mul3A_2 = arith.muli %add3A, %mul3A_1 : i32
    %add3A_3 = arith.constant 0 : i32
    %add3A_4 = arith.addi %mul3A_2, %add3A_3 : i32
    "tpu.region"() ({
      %run_scoped3A = tpu.sem_alloc : memref<!tpu.dma_semaphore, #tpu.memory_space<semaphore_mem>>
      %dma_start3A_65 = tpu.memref_slice %arg3[%add3A_4] : memref<65536xi32, #tpu.memory_space<hbm>> -> memref<256xi32, #tpu.memory_space<hbm>>
      %dma_start3A_66 = tpu.memref_slice %arg3[%add3A_4] : memref<65536xi32, #tpu.memory_space<hbm>> -> memref<256xi32, #tpu.memory_space<hbm>>
      tpu.enqueue_dma source(%dma_start3A_66 : memref<256xi32, #tpu.memory_space<hbm>>) target(%arg5 : memref<256xi32, #tpu.memory_space<vmem>>) target_semaphore(%run_scoped3A : memref<!tpu.dma_semaphore, #tpu.memory_space<semaphore_mem>>)
      %dma_wait3A_67 = tpu.memref_slice %arg3[%add3A_4] : memref<65536xi32, #tpu.memory_space<hbm>> -> memref<256xi32, #tpu.memory_space<hbm>>
      %dma_wait3A_68 = tpu.memref_slice %arg3[%add3A_4] : memref<65536xi32, #tpu.memory_space<hbm>> -> memref<256xi32, #tpu.memory_space<hbm>>
      tpu.wait_dma2 semaphore(%run_scoped3A : memref<!tpu.dma_semaphore, #tpu.memory_space<semaphore_mem>>) src(%dma_wait3A_68 : memref<256xi32, #tpu.memory_space<hbm>>) dst(%arg5 : memref<256xi32, #tpu.memory_space<vmem>>)
      tpu.yield
    }) : () -> ()
    %dma_start3A = arith.constant 0 : i32
    %dma_start3A_5 = arith.constant 0 : i32
    %dma_start3A_6 = tpu.memref_slice %arg2[%dma_start3A, %dma_start3A_5] : memref<512x128xf32, #tpu.memory_space<hbm>> -> memref<512x128xf32, #tpu.memory_space<hbm>>
    tpu.enqueue_indirect_dma source(%dma_start3A_6 : memref<512x128xf32, #tpu.memory_space<hbm>>) target(%arg6 : memref<256x128xf32, #tpu.memory_space<vmem>>) offsets(%arg5 : memref<256xi32, #tpu.memory_space<vmem>>) semaphore(%arg7 : memref<!tpu.dma_semaphore, #tpu.memory_space<semaphore_mem>>)
    %dma_wait3A = arith.constant 0 : i32
    %dma_wait3A_7 = arith.constant 0 : i32
    %dma_wait3A_8 = tpu.memref_slice %arg2[%dma_wait3A, %dma_wait3A_7] : memref<512x128xf32, #tpu.memory_space<hbm>> -> memref<512x128xf32, #tpu.memory_space<hbm>>
    tpu.wait_indirect_dma semaphore(%arg7 : memref<!tpu.dma_semaphore, #tpu.memory_space<semaphore_mem>>) src(%dma_wait3A_8 : memref<512x128xf32, #tpu.memory_space<hbm>>) dst(%arg6 : memref<256x128xf32, #tpu.memory_space<vmem>>)
    "tpu.region"() ({
      %run_scoped3A = tpu.sem_alloc : memref<!tpu.dma_semaphore, #tpu.memory_space<semaphore_mem>>
      %dma_start3A_65 = arith.constant 0 : i32
      %dma_start3A_66 = tpu.memref_slice %arg4[%add3A_4, %dma_start3A_65] : memref<65536x128xf32, #tpu.memory_space<hbm>> -> memref<256x128xf32, #tpu.memory_space<hbm>>
      %dma_start3A_67 = arith.constant 0 : i32
      %dma_start3A_68 = tpu.memref_slice %arg4[%add3A_4, %dma_start3A_67] : memref<65536x128xf32, #tpu.memory_space<hbm>> -> memref<256x128xf32, #tpu.memory_space<hbm>>
      tpu.enqueue_dma source(%arg6 : memref<256x128xf32, #tpu.memory_space<vmem>>) target(%dma_start3A_68 : memref<256x128xf32, #tpu.memory_space<hbm>>) target_semaphore(%run_scoped3A : memref<!tpu.dma_semaphore, #tpu.memory_space<semaphore_mem>>)
      %dma_wait3A_69 = arith.constant 0 : i32
      %dma_wait3A_70 = tpu.memref_slice %arg4[%add3A_4, %dma_wait3A_69] : memref<65536x128xf32, #tpu.memory_space<hbm>> -> memref<256x128xf32, #tpu.memory_space<hbm>>
      %dma_wait3A_71 = arith.constant 0 : i32
      %dma_wait3A_72 = tpu.memref_slice %arg4[%add3A_4, %dma_wait3A_71] : memref<65536x128xf32, #tpu.memory_space<hbm>> -> memref<256x128xf32, #tpu.memory_space<hbm>>
      tpu.wait_dma2 semaphore(%run_scoped3A : memref<!tpu.dma_semaphore, #tpu.memory_space<semaphore_mem>>) src(%arg6 : memref<256x128xf32, #tpu.memory_space<vmem>>) dst(%dma_wait3A_72 : memref<256x128xf32, #tpu.memory_space<hbm>>)
      tpu.yield
    }) : () -> ()
    %add3A_9 = arith.constant 256 : i32
    %add3A_10 = arith.addi %mul3A_2, %add3A_9 : i32
    "tpu.region"() ({
      %run_scoped3A = tpu.sem_alloc : memref<!tpu.dma_semaphore, #tpu.memory_space<semaphore_mem>>
      %dma_start3A_65 = tpu.memref_slice %arg3[%add3A_10] : memref<65536xi32, #tpu.memory_space<hbm>> -> memref<256xi32, #tpu.memory_space<hbm>>
      %dma_start3A_66 = tpu.memref_slice %arg3[%add3A_10] : memref<65536xi32, #tpu.memory_space<hbm>> -> memref<256xi32, #tpu.memory_space<hbm>>
      tpu.enqueue_dma source(%dma_start3A_66 : memref<256xi32, #tpu.memory_space<hbm>>) target(%arg5 : memref<256xi32, #tpu.memory_space<vmem>>) target_semaphore(%run_scoped3A : memref<!tpu.dma_semaphore, #tpu.memory_space<semaphore_mem>>)
      %dma_wait3A_67 = tpu.memref_slice %arg3[%add3A_10] : memref<65536xi32, #tpu.memory_space<hbm>> -> memref<256xi32, #tpu.memory_space<hbm>>
      %dma_wait3A_68 = tpu.memref_slice %arg3[%add3A_10] : memref<65536xi32, #tpu.memory_space<hbm>> -> memref<256xi32, #tpu.memory_space<hbm>>
      tpu.wait_dma2 semaphore(%run_scoped3A : memref<!tpu.dma_semaphore, #tpu.memory_space<semaphore_mem>>) src(%dma_wait3A_68 : memref<256xi32, #tpu.memory_space<hbm>>) dst(%arg5 : memref<256xi32, #tpu.memory_space<vmem>>)
      tpu.yield
    }) : () -> ()
    %dma_start3A_11 = arith.constant 0 : i32
    %dma_start3A_12 = arith.constant 0 : i32
    %dma_start3A_13 = tpu.memref_slice %arg2[%dma_start3A_11, %dma_start3A_12] : memref<512x128xf32, #tpu.memory_space<hbm>> -> memref<512x128xf32, #tpu.memory_space<hbm>>
    tpu.enqueue_indirect_dma source(%dma_start3A_13 : memref<512x128xf32, #tpu.memory_space<hbm>>) target(%arg6 : memref<256x128xf32, #tpu.memory_space<vmem>>) offsets(%arg5 : memref<256xi32, #tpu.memory_space<vmem>>) semaphore(%arg7 : memref<!tpu.dma_semaphore, #tpu.memory_space<semaphore_mem>>)
    %dma_wait3A_14 = arith.constant 0 : i32
    %dma_wait3A_15 = arith.constant 0 : i32
    %dma_wait3A_16 = tpu.memref_slice %arg2[%dma_wait3A_14, %dma_wait3A_15] : memref<512x128xf32, #tpu.memory_space<hbm>> -> memref<512x128xf32, #tpu.memory_space<hbm>>
    tpu.wait_indirect_dma semaphore(%arg7 : memref<!tpu.dma_semaphore, #tpu.memory_space<semaphore_mem>>) src(%dma_wait3A_16 : memref<512x128xf32, #tpu.memory_space<hbm>>) dst(%arg6 : memref<256x128xf32, #tpu.memory_space<vmem>>)
    "tpu.region"() ({
      %run_scoped3A = tpu.sem_alloc : memref<!tpu.dma_semaphore, #tpu.memory_space<semaphore_mem>>
      %dma_start3A_65 = arith.constant 0 : i32
      %dma_start3A_66 = tpu.memref_slice %arg4[%add3A_10, %dma_start3A_65] : memref<65536x128xf32, #tpu.memory_space<hbm>> -> memref<256x128xf32, #tpu.memory_space<hbm>>
      %dma_start3A_67 = arith.constant 0 : i32
      %dma_start3A_68 = tpu.memref_slice %arg4[%add3A_10, %dma_start3A_67] : memref<65536x128xf32, #tpu.memory_space<hbm>> -> memref<256x128xf32, #tpu.memory_space<hbm>>
      tpu.enqueue_dma source(%arg6 : memref<256x128xf32, #tpu.memory_space<vmem>>) target(%dma_start3A_68 : memref<256x128xf32, #tpu.memory_space<hbm>>) target_semaphore(%run_scoped3A : memref<!tpu.dma_semaphore, #tpu.memory_space<semaphore_mem>>)
      %dma_wait3A_69 = arith.constant 0 : i32
      %dma_wait3A_70 = tpu.memref_slice %arg4[%add3A_10, %dma_wait3A_69] : memref<65536x128xf32, #tpu.memory_space<hbm>> -> memref<256x128xf32, #tpu.memory_space<hbm>>
      %dma_wait3A_71 = arith.constant 0 : i32
      %dma_wait3A_72 = tpu.memref_slice %arg4[%add3A_10, %dma_wait3A_71] : memref<65536x128xf32, #tpu.memory_space<hbm>> -> memref<256x128xf32, #tpu.memory_space<hbm>>
      tpu.wait_dma2 semaphore(%run_scoped3A : memref<!tpu.dma_semaphore, #tpu.memory_space<semaphore_mem>>) src(%arg6 : memref<256x128xf32, #tpu.memory_space<vmem>>) dst(%dma_wait3A_72 : memref<256x128xf32, #tpu.memory_space<hbm>>)
      tpu.yield
    }) : () -> ()
    %add3A_17 = arith.constant 512 : i32
    %add3A_18 = arith.addi %mul3A_2, %add3A_17 : i32
    "tpu.region"() ({
      %run_scoped3A = tpu.sem_alloc : memref<!tpu.dma_semaphore, #tpu.memory_space<semaphore_mem>>
      %dma_start3A_65 = tpu.memref_slice %arg3[%add3A_18] : memref<65536xi32, #tpu.memory_space<hbm>> -> memref<256xi32, #tpu.memory_space<hbm>>
      %dma_start3A_66 = tpu.memref_slice %arg3[%add3A_18] : memref<65536xi32, #tpu.memory_space<hbm>> -> memref<256xi32, #tpu.memory_space<hbm>>
      tpu.enqueue_dma source(%dma_start3A_66 : memref<256xi32, #tpu.memory_space<hbm>>) target(%arg5 : memref<256xi32, #tpu.memory_space<vmem>>) target_semaphore(%run_scoped3A : memref<!tpu.dma_semaphore, #tpu.memory_space<semaphore_mem>>)
      %dma_wait3A_67 = tpu.memref_slice %arg3[%add3A_18] : memref<65536xi32, #tpu.memory_space<hbm>> -> memref<256xi32, #tpu.memory_space<hbm>>
      %dma_wait3A_68 = tpu.memref_slice %arg3[%add3A_18] : memref<65536xi32, #tpu.memory_space<hbm>> -> memref<256xi32, #tpu.memory_space<hbm>>
      tpu.wait_dma2 semaphore(%run_scoped3A : memref<!tpu.dma_semaphore, #tpu.memory_space<semaphore_mem>>) src(%dma_wait3A_68 : memref<256xi32, #tpu.memory_space<hbm>>) dst(%arg5 : memref<256xi32, #tpu.memory_space<vmem>>)
      tpu.yield
    }) : () -> ()
    %dma_start3A_19 = arith.constant 0 : i32
    %dma_start3A_20 = arith.constant 0 : i32
    %dma_start3A_21 = tpu.memref_slice %arg2[%dma_start3A_19, %dma_start3A_20] : memref<512x128xf32, #tpu.memory_space<hbm>> -> memref<512x128xf32, #tpu.memory_space<hbm>>
    tpu.enqueue_indirect_dma source(%dma_start3A_21 : memref<512x128xf32, #tpu.memory_space<hbm>>) target(%arg6 : memref<256x128xf32, #tpu.memory_space<vmem>>) offsets(%arg5 : memref<256xi32, #tpu.memory_space<vmem>>) semaphore(%arg7 : memref<!tpu.dma_semaphore, #tpu.memory_space<semaphore_mem>>)
    %dma_wait3A_22 = arith.constant 0 : i32
    %dma_wait3A_23 = arith.constant 0 : i32
    %dma_wait3A_24 = tpu.memref_slice %arg2[%dma_wait3A_22, %dma_wait3A_23] : memref<512x128xf32, #tpu.memory_space<hbm>> -> memref<512x128xf32, #tpu.memory_space<hbm>>
    tpu.wait_indirect_dma semaphore(%arg7 : memref<!tpu.dma_semaphore, #tpu.memory_space<semaphore_mem>>) src(%dma_wait3A_24 : memref<512x128xf32, #tpu.memory_space<hbm>>) dst(%arg6 : memref<256x128xf32, #tpu.memory_space<vmem>>)
    "tpu.region"() ({
      %run_scoped3A = tpu.sem_alloc : memref<!tpu.dma_semaphore, #tpu.memory_space<semaphore_mem>>
      %dma_start3A_65 = arith.constant 0 : i32
      %dma_start3A_66 = tpu.memref_slice %arg4[%add3A_18, %dma_start3A_65] : memref<65536x128xf32, #tpu.memory_space<hbm>> -> memref<256x128xf32, #tpu.memory_space<hbm>>
      %dma_start3A_67 = arith.constant 0 : i32
      %dma_start3A_68 = tpu.memref_slice %arg4[%add3A_18, %dma_start3A_67] : memref<65536x128xf32, #tpu.memory_space<hbm>> -> memref<256x128xf32, #tpu.memory_space<hbm>>
      tpu.enqueue_dma source(%arg6 : memref<256x128xf32, #tpu.memory_space<vmem>>) target(%dma_start3A_68 : memref<256x128xf32, #tpu.memory_space<hbm>>) target_semaphore(%run_scoped3A : memref<!tpu.dma_semaphore, #tpu.memory_space<semaphore_mem>>)
      %dma_wait3A_69 = arith.constant 0 : i32
      %dma_wait3A_70 = tpu.memref_slice %arg4[%add3A_18, %dma_wait3A_69] : memref<65536x128xf32, #tpu.memory_space<hbm>> -> memref<256x128xf32, #tpu.memory_space<hbm>>
      %dma_wait3A_71 = arith.constant 0 : i32
      %dma_wait3A_72 = tpu.memref_slice %arg4[%add3A_18, %dma_wait3A_71] : memref<65536x128xf32, #tpu.memory_space<hbm>> -> memref<256x128xf32, #tpu.memory_space<hbm>>
      tpu.wait_dma2 semaphore(%run_scoped3A : memref<!tpu.dma_semaphore, #tpu.memory_space<semaphore_mem>>) src(%arg6 : memref<256x128xf32, #tpu.memory_space<vmem>>) dst(%dma_wait3A_72 : memref<256x128xf32, #tpu.memory_space<hbm>>)
      tpu.yield
    }) : () -> ()
    %add3A_25 = arith.constant 768 : i32
    %add3A_26 = arith.addi %mul3A_2, %add3A_25 : i32
    "tpu.region"() ({
      %run_scoped3A = tpu.sem_alloc : memref<!tpu.dma_semaphore, #tpu.memory_space<semaphore_mem>>
      %dma_start3A_65 = tpu.memref_slice %arg3[%add3A_26] : memref<65536xi32, #tpu.memory_space<hbm>> -> memref<256xi32, #tpu.memory_space<hbm>>
      %dma_start3A_66 = tpu.memref_slice %arg3[%add3A_26] : memref<65536xi32, #tpu.memory_space<hbm>> -> memref<256xi32, #tpu.memory_space<hbm>>
      tpu.enqueue_dma source(%dma_start3A_66 : memref<256xi32, #tpu.memory_space<hbm>>) target(%arg5 : memref<256xi32, #tpu.memory_space<vmem>>) target_semaphore(%run_scoped3A : memref<!tpu.dma_semaphore, #tpu.memory_space<semaphore_mem>>)
      %dma_wait3A_67 = tpu.memref_slice %arg3[%add3A_26] : memref<65536xi32, #tpu.memory_space<hbm>> -> memref<256xi32, #tpu.memory_space<hbm>>
      %dma_wait3A_68 = tpu.memref_slice %arg3[%add3A_26] : memref<65536xi32, #tpu.memory_space<hbm>> -> memref<256xi32, #tpu.memory_space<hbm>>
      tpu.wait_dma2 semaphore(%run_scoped3A : memref<!tpu.dma_semaphore, #tpu.memory_space<semaphore_mem>>) src(%dma_wait3A_68 : memref<256xi32, #tpu.memory_space<hbm>>) dst(%arg5 : memref<256xi32, #tpu.memory_space<vmem>>)
      tpu.yield
    }) : () -> ()
    %dma_start3A_27 = arith.constant 0 : i32
    %dma_start3A_28 = arith.constant 0 : i32
    %dma_start3A_29 = tpu.memref_slice %arg2[%dma_start3A_27, %dma_start3A_28] : memref<512x128xf32, #tpu.memory_space<hbm>> -> memref<512x128xf32, #tpu.memory_space<hbm>>
    tpu.enqueue_indirect_dma source(%dma_start3A_29 : memref<512x128xf32, #tpu.memory_space<hbm>>) target(%arg6 : memref<256x128xf32, #tpu.memory_space<vmem>>) offsets(%arg5 : memref<256xi32, #tpu.memory_space<vmem>>) semaphore(%arg7 : memref<!tpu.dma_semaphore, #tpu.memory_space<semaphore_mem>>)
    %dma_wait3A_30 = arith.constant 0 : i32
    %dma_wait3A_31 = arith.constant 0 : i32
    %dma_wait3A_32 = tpu.memref_slice %arg2[%dma_wait3A_30, %dma_wait3A_31] : memref<512x128xf32, #tpu.memory_space<hbm>> -> memref<512x128xf32, #tpu.memory_space<hbm>>
    tpu.wait_indirect_dma semaphore(%arg7 : memref<!tpu.dma_semaphore, #tpu.memory_space<semaphore_mem>>) src(%dma_wait3A_32 : memref<512x128xf32, #tpu.memory_space<hbm>>) dst(%arg6 : memref<256x128xf32, #tpu.memory_space<vmem>>)
    "tpu.region"() ({
      %run_scoped3A = tpu.sem_alloc : memref<!tpu.dma_semaphore, #tpu.memory_space<semaphore_mem>>
      %dma_start3A_65 = arith.constant 0 : i32
      %dma_start3A_66 = tpu.memref_slice %arg4[%add3A_26, %dma_start3A_65] : memref<65536x128xf32, #tpu.memory_space<hbm>> -> memref<256x128xf32, #tpu.memory_space<hbm>>
      %dma_start3A_67 = arith.constant 0 : i32
      %dma_start3A_68 = tpu.memref_slice %arg4[%add3A_26, %dma_start3A_67] : memref<65536x128xf32, #tpu.memory_space<hbm>> -> memref<256x128xf32, #tpu.memory_space<hbm>>
      tpu.enqueue_dma source(%arg6 : memref<256x128xf32, #tpu.memory_space<vmem>>) target(%dma_start3A_68 : memref<256x128xf32, #tpu.memory_space<hbm>>) target_semaphore(%run_scoped3A : memref<!tpu.dma_semaphore, #tpu.memory_space<semaphore_mem>>)
      %dma_wait3A_69 = arith.constant 0 : i32
      %dma_wait3A_70 = tpu.memref_slice %arg4[%add3A_26, %dma_wait3A_69] : memref<65536x128xf32, #tpu.memory_space<hbm>> -> memref<256x128xf32, #tpu.memory_space<hbm>>
      %dma_wait3A_71 = arith.constant 0 : i32
      %dma_wait3A_72 = tpu.memref_slice %arg4[%add3A_26, %dma_wait3A_71] : memref<65536x128xf32, #tpu.memory_space<hbm>> -> memref<256x128xf32, #tpu.memory_space<hbm>>
      tpu.wait_dma2 semaphore(%run_scoped3A : memref<!tpu.dma_semaphore, #tpu.memory_space<semaphore_mem>>) src(%arg6 : memref<256x128xf32, #tpu.memory_space<vmem>>) dst(%dma_wait3A_72 : memref<256x128xf32, #tpu.memory_space<hbm>>)
      tpu.yield
    }) : () -> ()
    %add3A_33 = arith.constant 1024 : i32
    %add3A_34 = arith.addi %mul3A_2, %add3A_33 : i32
    "tpu.region"() ({
      %run_scoped3A = tpu.sem_alloc : memref<!tpu.dma_semaphore, #tpu.memory_space<semaphore_mem>>
      %dma_start3A_65 = tpu.memref_slice %arg3[%add3A_34] : memref<65536xi32, #tpu.memory_space<hbm>> -> memref<256xi32, #tpu.memory_space<hbm>>
      %dma_start3A_66 = tpu.memref_slice %arg3[%add3A_34] : memref<65536xi32, #tpu.memory_space<hbm>> -> memref<256xi32, #tpu.memory_space<hbm>>
      tpu.enqueue_dma source(%dma_start3A_66 : memref<256xi32, #tpu.memory_space<hbm>>) target(%arg5 : memref<256xi32, #tpu.memory_space<vmem>>) target_semaphore(%run_scoped3A : memref<!tpu.dma_semaphore, #tpu.memory_space<semaphore_mem>>)
      %dma_wait3A_67 = tpu.memref_slice %arg3[%add3A_34] : memref<65536xi32, #tpu.memory_space<hbm>> -> memref<256xi32, #tpu.memory_space<hbm>>
      %dma_wait3A_68 = tpu.memref_slice %arg3[%add3A_34] : memref<65536xi32, #tpu.memory_space<hbm>> -> memref<256xi32, #tpu.memory_space<hbm>>
      tpu.wait_dma2 semaphore(%run_scoped3A : memref<!tpu.dma_semaphore, #tpu.memory_space<semaphore_mem>>) src(%dma_wait3A_68 : memref<256xi32, #tpu.memory_space<hbm>>) dst(%arg5 : memref<256xi32, #tpu.memory_space<vmem>>)
      tpu.yield
    }) : () -> ()
    %dma_start3A_35 = arith.constant 0 : i32
    %dma_start3A_36 = arith.constant 0 : i32
    %dma_start3A_37 = tpu.memref_slice %arg2[%dma_start3A_35, %dma_start3A_36] : memref<512x128xf32, #tpu.memory_space<hbm>> -> memref<512x128xf32, #tpu.memory_space<hbm>>
    tpu.enqueue_indirect_dma source(%dma_start3A_37 : memref<512x128xf32, #tpu.memory_space<hbm>>) target(%arg6 : memref<256x128xf32, #tpu.memory_space<vmem>>) offsets(%arg5 : memref<256xi32, #tpu.memory_space<vmem>>) semaphore(%arg7 : memref<!tpu.dma_semaphore, #tpu.memory_space<semaphore_mem>>)
    %dma_wait3A_38 = arith.constant 0 : i32
    %dma_wait3A_39 = arith.constant 0 : i32
    %dma_wait3A_40 = tpu.memref_slice %arg2[%dma_wait3A_38, %dma_wait3A_39] : memref<512x128xf32, #tpu.memory_space<hbm>> -> memref<512x128xf32, #tpu.memory_space<hbm>>
    tpu.wait_indirect_dma semaphore(%arg7 : memref<!tpu.dma_semaphore, #tpu.memory_space<semaphore_mem>>) src(%dma_wait3A_40 : memref<512x128xf32, #tpu.memory_space<hbm>>) dst(%arg6 : memref<256x128xf32, #tpu.memory_space<vmem>>)
    "tpu.region"() ({
      %run_scoped3A = tpu.sem_alloc : memref<!tpu.dma_semaphore, #tpu.memory_space<semaphore_mem>>
      %dma_start3A_65 = arith.constant 0 : i32
      %dma_start3A_66 = tpu.memref_slice %arg4[%add3A_34, %dma_start3A_65] : memref<65536x128xf32, #tpu.memory_space<hbm>> -> memref<256x128xf32, #tpu.memory_space<hbm>>
      %dma_start3A_67 = arith.constant 0 : i32
      %dma_start3A_68 = tpu.memref_slice %arg4[%add3A_34, %dma_start3A_67] : memref<65536x128xf32, #tpu.memory_space<hbm>> -> memref<256x128xf32, #tpu.memory_space<hbm>>
      tpu.enqueue_dma source(%arg6 : memref<256x128xf32, #tpu.memory_space<vmem>>) target(%dma_start3A_68 : memref<256x128xf32, #tpu.memory_space<hbm>>) target_semaphore(%run_scoped3A : memref<!tpu.dma_semaphore, #tpu.memory_space<semaphore_mem>>)
      %dma_wait3A_69 = arith.constant 0 : i32
      %dma_wait3A_70 = tpu.memref_slice %arg4[%add3A_34, %dma_wait3A_69] : memref<65536x128xf32, #tpu.memory_space<hbm>> -> memref<256x128xf32, #tpu.memory_space<hbm>>
      %dma_wait3A_71 = arith.constant 0 : i32
      %dma_wait3A_72 = tpu.memref_slice %arg4[%add3A_34, %dma_wait3A_71] : memref<65536x128xf32, #tpu.memory_space<hbm>> -> memref<256x128xf32, #tpu.memory_space<hbm>>
      tpu.wait_dma2 semaphore(%run_scoped3A : memref<!tpu.dma_semaphore, #tpu.memory_space<semaphore_mem>>) src(%arg6 : memref<256x128xf32, #tpu.memory_space<vmem>>) dst(%dma_wait3A_72 : memref<256x128xf32, #tpu.memory_space<hbm>>)
      tpu.yield
    }) : () -> ()
    %add3A_41 = arith.constant 1280 : i32
    %add3A_42 = arith.addi %mul3A_2, %add3A_41 : i32
    "tpu.region"() ({
      %run_scoped3A = tpu.sem_alloc : memref<!tpu.dma_semaphore, #tpu.memory_space<semaphore_mem>>
      %dma_start3A_65 = tpu.memref_slice %arg3[%add3A_42] : memref<65536xi32, #tpu.memory_space<hbm>> -> memref<256xi32, #tpu.memory_space<hbm>>
      %dma_start3A_66 = tpu.memref_slice %arg3[%add3A_42] : memref<65536xi32, #tpu.memory_space<hbm>> -> memref<256xi32, #tpu.memory_space<hbm>>
      tpu.enqueue_dma source(%dma_start3A_66 : memref<256xi32, #tpu.memory_space<hbm>>) target(%arg5 : memref<256xi32, #tpu.memory_space<vmem>>) target_semaphore(%run_scoped3A : memref<!tpu.dma_semaphore, #tpu.memory_space<semaphore_mem>>)
      %dma_wait3A_67 = tpu.memref_slice %arg3[%add3A_42] : memref<65536xi32, #tpu.memory_space<hbm>> -> memref<256xi32, #tpu.memory_space<hbm>>
      %dma_wait3A_68 = tpu.memref_slice %arg3[%add3A_42] : memref<65536xi32, #tpu.memory_space<hbm>> -> memref<256xi32, #tpu.memory_space<hbm>>
      tpu.wait_dma2 semaphore(%run_scoped3A : memref<!tpu.dma_semaphore, #tpu.memory_space<semaphore_mem>>) src(%dma_wait3A_68 : memref<256xi32, #tpu.memory_space<hbm>>) dst(%arg5 : memref<256xi32, #tpu.memory_space<vmem>>)
      tpu.yield
    }) : () -> ()
    %dma_start3A_43 = arith.constant 0 : i32
    %dma_start3A_44 = arith.constant 0 : i32
    %dma_start3A_45 = tpu.memref_slice %arg2[%dma_start3A_43, %dma_start3A_44] : memref<512x128xf32, #tpu.memory_space<hbm>> -> memref<512x128xf32, #tpu.memory_space<hbm>>
    tpu.enqueue_indirect_dma source(%dma_start3A_45 : memref<512x128xf32, #tpu.memory_space<hbm>>) target(%arg6 : memref<256x128xf32, #tpu.memory_space<vmem>>) offsets(%arg5 : memref<256xi32, #tpu.memory_space<vmem>>) semaphore(%arg7 : memref<!tpu.dma_semaphore, #tpu.memory_space<semaphore_mem>>)
    %dma_wait3A_46 = arith.constant 0 : i32
    %dma_wait3A_47 = arith.constant 0 : i32
    %dma_wait3A_48 = tpu.memref_slice %arg2[%dma_wait3A_46, %dma_wait3A_47] : memref<512x128xf32, #tpu.memory_space<hbm>> -> memref<512x128xf32, #tpu.memory_space<hbm>>
    tpu.wait_indirect_dma semaphore(%arg7 : memref<!tpu.dma_semaphore, #tpu.memory_space<semaphore_mem>>) src(%dma_wait3A_48 : memref<512x128xf32, #tpu.memory_space<hbm>>) dst(%arg6 : memref<256x128xf32, #tpu.memory_space<vmem>>)
    "tpu.region"() ({
      %run_scoped3A = tpu.sem_alloc : memref<!tpu.dma_semaphore, #tpu.memory_space<semaphore_mem>>
      %dma_start3A_65 = arith.constant 0 : i32
      %dma_start3A_66 = tpu.memref_slice %arg4[%add3A_42, %dma_start3A_65] : memref<65536x128xf32, #tpu.memory_space<hbm>> -> memref<256x128xf32, #tpu.memory_space<hbm>>
      %dma_start3A_67 = arith.constant 0 : i32
      %dma_start3A_68 = tpu.memref_slice %arg4[%add3A_42, %dma_start3A_67] : memref<65536x128xf32, #tpu.memory_space<hbm>> -> memref<256x128xf32, #tpu.memory_space<hbm>>
      tpu.enqueue_dma source(%arg6 : memref<256x128xf32, #tpu.memory_space<vmem>>) target(%dma_start3A_68 : memref<256x128xf32, #tpu.memory_space<hbm>>) target_semaphore(%run_scoped3A : memref<!tpu.dma_semaphore, #tpu.memory_space<semaphore_mem>>)
      %dma_wait3A_69 = arith.constant 0 : i32
      %dma_wait3A_70 = tpu.memref_slice %arg4[%add3A_42, %dma_wait3A_69] : memref<65536x128xf32, #tpu.memory_space<hbm>> -> memref<256x128xf32, #tpu.memory_space<hbm>>
      %dma_wait3A_71 = arith.constant 0 : i32
      %dma_wait3A_72 = tpu.memref_slice %arg4[%add3A_42, %dma_wait3A_71] : memref<65536x128xf32, #tpu.memory_space<hbm>> -> memref<256x128xf32, #tpu.memory_space<hbm>>
      tpu.wait_dma2 semaphore(%run_scoped3A : memref<!tpu.dma_semaphore, #tpu.memory_space<semaphore_mem>>) src(%arg6 : memref<256x128xf32, #tpu.memory_space<vmem>>) dst(%dma_wait3A_72 : memref<256x128xf32, #tpu.memory_space<hbm>>)
      tpu.yield
    }) : () -> ()
    %add3A_49 = arith.constant 1536 : i32
    %add3A_50 = arith.addi %mul3A_2, %add3A_49 : i32
    "tpu.region"() ({
      %run_scoped3A = tpu.sem_alloc : memref<!tpu.dma_semaphore, #tpu.memory_space<semaphore_mem>>
      %dma_start3A_65 = tpu.memref_slice %arg3[%add3A_50] : memref<65536xi32, #tpu.memory_space<hbm>> -> memref<256xi32, #tpu.memory_space<hbm>>
      %dma_start3A_66 = tpu.memref_slice %arg3[%add3A_50] : memref<65536xi32, #tpu.memory_space<hbm>> -> memref<256xi32, #tpu.memory_space<hbm>>
      tpu.enqueue_dma source(%dma_start3A_66 : memref<256xi32, #tpu.memory_space<hbm>>) target(%arg5 : memref<256xi32, #tpu.memory_space<vmem>>) target_semaphore(%run_scoped3A : memref<!tpu.dma_semaphore, #tpu.memory_space<semaphore_mem>>)
      %dma_wait3A_67 = tpu.memref_slice %arg3[%add3A_50] : memref<65536xi32, #tpu.memory_space<hbm>> -> memref<256xi32, #tpu.memory_space<hbm>>
      %dma_wait3A_68 = tpu.memref_slice %arg3[%add3A_50] : memref<65536xi32, #tpu.memory_space<hbm>> -> memref<256xi32, #tpu.memory_space<hbm>>
      tpu.wait_dma2 semaphore(%run_scoped3A : memref<!tpu.dma_semaphore, #tpu.memory_space<semaphore_mem>>) src(%dma_wait3A_68 : memref<256xi32, #tpu.memory_space<hbm>>) dst(%arg5 : memref<256xi32, #tpu.memory_space<vmem>>)
      tpu.yield
    }) : () -> ()
    %dma_start3A_51 = arith.constant 0 : i32
    %dma_start3A_52 = arith.constant 0 : i32
    %dma_start3A_53 = tpu.memref_slice %arg2[%dma_start3A_51, %dma_start3A_52] : memref<512x128xf32, #tpu.memory_space<hbm>> -> memref<512x128xf32, #tpu.memory_space<hbm>>
    tpu.enqueue_indirect_dma source(%dma_start3A_53 : memref<512x128xf32, #tpu.memory_space<hbm>>) target(%arg6 : memref<256x128xf32, #tpu.memory_space<vmem>>) offsets(%arg5 : memref<256xi32, #tpu.memory_space<vmem>>) semaphore(%arg7 : memref<!tpu.dma_semaphore, #tpu.memory_space<semaphore_mem>>)
    %dma_wait3A_54 = arith.constant 0 : i32
    %dma_wait3A_55 = arith.constant 0 : i32
    %dma_wait3A_56 = tpu.memref_slice %arg2[%dma_wait3A_54, %dma_wait3A_55] : memref<512x128xf32, #tpu.memory_space<hbm>> -> memref<512x128xf32, #tpu.memory_space<hbm>>
    tpu.wait_indirect_dma semaphore(%arg7 : memref<!tpu.dma_semaphore, #tpu.memory_space<semaphore_mem>>) src(%dma_wait3A_56 : memref<512x128xf32, #tpu.memory_space<hbm>>) dst(%arg6 : memref<256x128xf32, #tpu.memory_space<vmem>>)
    "tpu.region"() ({
      %run_scoped3A = tpu.sem_alloc : memref<!tpu.dma_semaphore, #tpu.memory_space<semaphore_mem>>
      %dma_start3A_65 = arith.constant 0 : i32
      %dma_start3A_66 = tpu.memref_slice %arg4[%add3A_50, %dma_start3A_65] : memref<65536x128xf32, #tpu.memory_space<hbm>> -> memref<256x128xf32, #tpu.memory_space<hbm>>
      %dma_start3A_67 = arith.constant 0 : i32
      %dma_start3A_68 = tpu.memref_slice %arg4[%add3A_50, %dma_start3A_67] : memref<65536x128xf32, #tpu.memory_space<hbm>> -> memref<256x128xf32, #tpu.memory_space<hbm>>
      tpu.enqueue_dma source(%arg6 : memref<256x128xf32, #tpu.memory_space<vmem>>) target(%dma_start3A_68 : memref<256x128xf32, #tpu.memory_space<hbm>>) target_semaphore(%run_scoped3A : memref<!tpu.dma_semaphore, #tpu.memory_space<semaphore_mem>>)
      %dma_wait3A_69 = arith.constant 0 : i32
      %dma_wait3A_70 = tpu.memref_slice %arg4[%add3A_50, %dma_wait3A_69] : memref<65536x128xf32, #tpu.memory_space<hbm>> -> memref<256x128xf32, #tpu.memory_space<hbm>>
      %dma_wait3A_71 = arith.constant 0 : i32
      %dma_wait3A_72 = tpu.memref_slice %arg4[%add3A_50, %dma_wait3A_71] : memref<65536x128xf32, #tpu.memory_space<hbm>> -> memref<256x128xf32, #tpu.memory_space<hbm>>
      tpu.wait_dma2 semaphore(%run_scoped3A : memref<!tpu.dma_semaphore, #tpu.memory_space<semaphore_mem>>) src(%arg6 : memref<256x128xf32, #tpu.memory_space<vmem>>) dst(%dma_wait3A_72 : memref<256x128xf32, #tpu.memory_space<hbm>>)
      tpu.yield
    }) : () -> ()
    %add3A_57 = arith.constant 1792 : i32
    %add3A_58 = arith.addi %mul3A_2, %add3A_57 : i32
    "tpu.region"() ({
      %run_scoped3A = tpu.sem_alloc : memref<!tpu.dma_semaphore, #tpu.memory_space<semaphore_mem>>
      %dma_start3A_65 = tpu.memref_slice %arg3[%add3A_58] : memref<65536xi32, #tpu.memory_space<hbm>> -> memref<256xi32, #tpu.memory_space<hbm>>
      %dma_start3A_66 = tpu.memref_slice %arg3[%add3A_58] : memref<65536xi32, #tpu.memory_space<hbm>> -> memref<256xi32, #tpu.memory_space<hbm>>
      tpu.enqueue_dma source(%dma_start3A_66 : memref<256xi32, #tpu.memory_space<hbm>>) target(%arg5 : memref<256xi32, #tpu.memory_space<vmem>>) target_semaphore(%run_scoped3A : memref<!tpu.dma_semaphore, #tpu.memory_space<semaphore_mem>>)
      %dma_wait3A_67 = tpu.memref_slice %arg3[%add3A_58] : memref<65536xi32, #tpu.memory_space<hbm>> -> memref<256xi32, #tpu.memory_space<hbm>>
      %dma_wait3A_68 = tpu.memref_slice %arg3[%add3A_58] : memref<65536xi32, #tpu.memory_space<hbm>> -> memref<256xi32, #tpu.memory_space<hbm>>
      tpu.wait_dma2 semaphore(%run_scoped3A : memref<!tpu.dma_semaphore, #tpu.memory_space<semaphore_mem>>) src(%dma_wait3A_68 : memref<256xi32, #tpu.memory_space<hbm>>) dst(%arg5 : memref<256xi32, #tpu.memory_space<vmem>>)
      tpu.yield
    }) : () -> ()
    %dma_start3A_59 = arith.constant 0 : i32
    %dma_start3A_60 = arith.constant 0 : i32
    %dma_start3A_61 = tpu.memref_slice %arg2[%dma_start3A_59, %dma_start3A_60] : memref<512x128xf32, #tpu.memory_space<hbm>> -> memref<512x128xf32, #tpu.memory_space<hbm>>
    tpu.enqueue_indirect_dma source(%dma_start3A_61 : memref<512x128xf32, #tpu.memory_space<hbm>>) target(%arg6 : memref<256x128xf32, #tpu.memory_space<vmem>>) offsets(%arg5 : memref<256xi32, #tpu.memory_space<vmem>>) semaphore(%arg7 : memref<!tpu.dma_semaphore, #tpu.memory_space<semaphore_mem>>)
    %dma_wait3A_62 = arith.constant 0 : i32
    %dma_wait3A_63 = arith.constant 0 : i32
    %dma_wait3A_64 = tpu.memref_slice %arg2[%dma_wait3A_62, %dma_wait3A_63] : memref<512x128xf32, #tpu.memory_space<hbm>> -> memref<512x128xf32, #tpu.memory_space<hbm>>
    tpu.wait_indirect_dma semaphore(%arg7 : memref<!tpu.dma_semaphore, #tpu.memory_space<semaphore_mem>>) src(%dma_wait3A_64 : memref<512x128xf32, #tpu.memory_space<hbm>>) dst(%arg6 : memref<256x128xf32, #tpu.memory_space<vmem>>)
    "tpu.region"() ({
      %run_scoped3A = tpu.sem_alloc : memref<!tpu.dma_semaphore, #tpu.memory_space<semaphore_mem>>
      %dma_start3A_65 = arith.constant 0 : i32
      %dma_start3A_66 = tpu.memref_slice %arg4[%add3A_58, %dma_start3A_65] : memref<65536x128xf32, #tpu.memory_space<hbm>> -> memref<256x128xf32, #tpu.memory_space<hbm>>
      %dma_start3A_67 = arith.constant 0 : i32
      %dma_start3A_68 = tpu.memref_slice %arg4[%add3A_58, %dma_start3A_67] : memref<65536x128xf32, #tpu.memory_space<hbm>> -> memref<256x128xf32, #tpu.memory_space<hbm>>
      tpu.enqueue_dma source(%arg6 : memref<256x128xf32, #tpu.memory_space<vmem>>) target(%dma_start3A_68 : memref<256x128xf32, #tpu.memory_space<hbm>>) target_semaphore(%run_scoped3A : memref<!tpu.dma_semaphore, #tpu.memory_space<semaphore_mem>>)
      %dma_wait3A_69 = arith.constant 0 : i32
      %dma_wait3A_70 = tpu.memref_slice %arg4[%add3A_58, %dma_wait3A_69] : memref<65536x128xf32, #tpu.memory_space<hbm>> -> memref<256x128xf32, #tpu.memory_space<hbm>>
      %dma_wait3A_71 = arith.constant 0 : i32
      %dma_wait3A_72 = tpu.memref_slice %arg4[%add3A_58, %dma_wait3A_71] : memref<65536x128xf32, #tpu.memory_space<hbm>> -> memref<256x128xf32, #tpu.memory_space<hbm>>
      tpu.wait_dma2 semaphore(%run_scoped3A : memref<!tpu.dma_semaphore, #tpu.memory_space<semaphore_mem>>) src(%arg6 : memref<256x128xf32, #tpu.memory_space<vmem>>) dst(%dma_wait3A_72 : memref<256x128xf32, #tpu.memory_space<hbm>>)
      tpu.yield
    }) : () -> ()
    return
  }
}

module attributes {stable_mosaic.version = 14 : i64} {
  func.func @_vq_step(%arg0: i32, %arg1: memref<8x64x1024xf32, #tpu.memory_space<vmem>>, %arg2: memref<512x64xbf16, #tpu.memory_space<vmem>>, %arg3: memref<8x1x1024xf32, #tpu.memory_space<vmem>>, %arg4: memref<512x1xf32, #tpu.memory_space<vmem>>, %arg5: memref<8x1x1024xi32, #tpu.memory_space<vmem>>, %arg6: memref<64x1xf32, #tpu.memory_space<smem>>) attributes {dimension_semantics = [#tpu.dimension_semantics<arbitrary>], iteration_bounds = array<i64: 8>, scalar_prefetch = 0 : i64, scratch_operands = 0 : i64, tpu.core_type = #tpu.core_type<tc>, window_params = [{transform_indices = @transform_0, window_bounds = array<i64: 8, 64, 1024>}, {pipeline_mode = #tpu.pipeline_mode<synchronous>, transform_indices = @transform_1, window_bounds = array<i64: 512, 64>}, {transform_indices = @transform_2, window_bounds = array<i64: 8, 1, 1024>}, {pipeline_mode = #tpu.pipeline_mode<synchronous>, transform_indices = @transform_3, window_bounds = array<i64: 512, 1>}, {transform_indices = @transform_4, window_bounds = array<i64: 8, 1, 1024>}, {transform_indices = @transform_5, window_bounds = array<i64: 64, 1>}]} {
    %get3A = arith.constant 0 : index
    %get3A_0 = arith.constant 0 : index
    %get3A_1 = vector.load %arg2[%get3A, %get3A_0] : memref<512x64xbf16, #tpu.memory_space<vmem>>, vector<512x64xbf16>
    %get3A_2 = arith.constant 0 : index
    %get3A_3 = arith.constant 0 : index
    %get3A_4 = vector.load %arg4[%get3A_2, %get3A_3] : memref<512x1xf32, #tpu.memory_space<vmem>>, vector<512x1xf32>
    %get3A_5 = arith.constant 0 : index
    %get3A_6 = arith.constant 0 : index
    %get3A_7 = arith.constant 0 : index
    %get3A_8 = vector.load %arg1[%get3A_5, %get3A_6, %get3A_7] : memref<8x64x1024xf32, #tpu.memory_space<vmem>>, vector<1x64x1024xf32>
    %get3A_9 = vector.shape_cast %get3A_8 : vector<1x64x1024xf32> to vector<64x1024xf32>
    %get3A_10 = arith.constant 0 : index
    %get3A_11 = arith.constant 0 : index
    %get3A_12 = arith.constant 0 : index
    %get3A_13 = vector.load %arg3[%get3A_10, %get3A_11, %get3A_12] : memref<8x1x1024xf32, #tpu.memory_space<vmem>>, vector<1x1x1024xf32>
    %get3A_14 = vector.shape_cast %get3A_13 : vector<1x1x1024xf32> to vector<1x1024xf32>
    %convert_element_type3A = arith.truncf %get3A_9 : vector<64x1024xf32> to vector<64x1024xbf16>
    %dot_general3A = arith.constant dense<0.000000e+00> : vector<512x1024xf32>
    %dot_general3A_15 = tpu.matmul %get3A_1, %convert_element_type3A, %dot_general3A {dimension_numbers = #tpu.dot_dimension_numbers<[1], [0], [0], [1], [0, 0, 1, 1], [], []>, transpose_lhs_hint = false} : vector<512x64xbf16>, vector<64x1024xbf16>, vector<512x1024xf32> -> vector<512x1024xf32>
    %add3A = vector.broadcast %get3A_14 : vector<1x1024xf32> to vector<512x1024xf32>
    %add3A_16 = vector.broadcast %get3A_4 : vector<512x1xf32> to vector<512x1024xf32>
    %add3A_17 = arith.addf %add3A, %add3A_16 : vector<512x1024xf32>
    %sub3A = arith.subf %add3A_17, %dot_general3A_15 : vector<512x1024xf32>
    %reduce_min3A = arith.constant dense<0x7F800000> : vector<1024xf32>
    %reduce_min3A_18 = vector.multi_reduction <minimumf>, %sub3A, %reduce_min3A [0] : vector<512x1024xf32> to vector<1024xf32>
    %broadcast_in_dim3A = vector.shape_cast %reduce_min3A_18 : vector<1024xf32> to vector<1x1024xf32>
    %iota3A = tpu.iota {dimensions = array<i32: 0>} : vector<512x1024xi32>
    %eq3A = vector.broadcast %broadcast_in_dim3A : vector<1x1024xf32> to vector<512x1024xf32>
    %eq3A_19 = arith.cmpf oeq, %sub3A, %eq3A : vector<512x1024xf32>
    %jit3A = arith.constant 512 : i32
    %broadcast_in_dim3A_20 = vector.broadcast %jit3A : i32 to vector<512x1024xi32>
    %select_n3A = arith.select %eq3A_19, %iota3A, %broadcast_in_dim3A_20 : vector<512x1024xi1>, vector<512x1024xi32>
    %reduce_min3A_21 = arith.constant dense<2147483647> : vector<1024xi32>
    %reduce_min3A_22 = vector.multi_reduction <minsi>, %select_n3A, %reduce_min3A_21 [0] : vector<512x1024xi32> to vector<1024xi32>
    %broadcast_in_dim3A_23 = vector.shape_cast %reduce_min3A_22 : vector<1024xi32> to vector<1x1024xi32>
    %swap3A = arith.constant 0 : index
    %swap3A_24 = arith.constant 0 : index
    %swap3A_25 = arith.constant 0 : index
    %swap3A_26 = vector.load %arg5[%swap3A, %swap3A_24, %swap3A_25] : memref<8x1x1024xi32, #tpu.memory_space<vmem>>, vector<1x1x1024xi32>
    %swap3A_27 = vector.shape_cast %swap3A_26 : vector<1x1x1024xi32> to vector<1x1024xi32>
    %swap3A_28 = vector.shape_cast %broadcast_in_dim3A_23 : vector<1x1024xi32> to vector<1x1x1024xi32>
    tpu.vector_store %arg5[%swap3A, %swap3A_24, %swap3A_25], %swap3A_28 {strides = array<i32>} : memref<8x1x1024xi32, #tpu.memory_space<vmem>>, vector<1x1x1024xi32>,
    %reduce_sum3A = vector.shape_cast %broadcast_in_dim3A : vector<1x1024xf32> to vector<1x1x1024xf32>
    %reduce_sum3A_29 = arith.constant dense<0.000000e+00> : vector<1xf32>
    %reduce_sum3A_30 = vector.multi_reduction <add>, %reduce_sum3A, %reduce_sum3A_29 [1, 2] : vector<1x1x1024xf32> to vector<1xf32>
    %reduce_sum3A_31 = vector.shape_cast %reduce_sum3A_30 : vector<1xf32> to vector<1x1x1xf32>
    %reduce_sum3A_32 = vector.extract %reduce_sum3A_31[0, 0, 0] : f32 from vector<1x1x1xf32>
    %mul3A = arith.constant 8 : i32
    %mul3A_33 = arith.muli %arg0, %mul3A : i32
    %add3A_34 = arith.constant 0 : i32
    %add3A_35 = arith.addi %mul3A_33, %add3A_34 : i32
    %swap3A_36 = arith.index_cast %add3A_35 : i32 to index
    %swap3A_37 = arith.constant 0 : index
    %swap3A_38 = memref.load %arg6[%swap3A_36, %swap3A_37] : memref<64x1xf32, #tpu.memory_space<smem>>
    memref.store %reduce_sum3A_32, %arg6[%swap3A_36, %swap3A_37] : memref<64x1xf32, #tpu.memory_space<smem>>
    %get3A_39 = arith.constant 1 : index
    %get3A_40 = arith.constant 0 : index
    %get3A_41 = arith.constant 0 : index
    %get3A_42 = vector.load %arg1[%get3A_39, %get3A_40, %get3A_41] : memref<8x64x1024xf32, #tpu.memory_space<vmem>>, vector<1x64x1024xf32>
    %get3A_43 = vector.shape_cast %get3A_42 : vector<1x64x1024xf32> to vector<64x1024xf32>
    %get3A_44 = arith.constant 1 : index
    %get3A_45 = arith.constant 0 : index
    %get3A_46 = arith.constant 0 : index
    %get3A_47 = vector.load %arg3[%get3A_44, %get3A_45, %get3A_46] : memref<8x1x1024xf32, #tpu.memory_space<vmem>>, vector<1x1x1024xf32>
    %get3A_48 = vector.shape_cast %get3A_47 : vector<1x1x1024xf32> to vector<1x1024xf32>
    %convert_element_type3A_49 = arith.truncf %get3A_43 : vector<64x1024xf32> to vector<64x1024xbf16>
    %dot_general3A_50 = arith.constant dense<0.000000e+00> : vector<512x1024xf32>
    %dot_general3A_51 = tpu.matmul %get3A_1, %convert_element_type3A_49, %dot_general3A_50 {dimension_numbers = #tpu.dot_dimension_numbers<[1], [0], [0], [1], [0, 0, 1, 1], [], []>, transpose_lhs_hint = false} : vector<512x64xbf16>, vector<64x1024xbf16>, vector<512x1024xf32> -> vector<512x1024xf32>
    %add3A_52 = vector.broadcast %get3A_48 : vector<1x1024xf32> to vector<512x1024xf32>
    %add3A_53 = vector.broadcast %get3A_4 : vector<512x1xf32> to vector<512x1024xf32>
    %add3A_54 = arith.addf %add3A_52, %add3A_53 : vector<512x1024xf32>
    %sub3A_55 = arith.subf %add3A_54, %dot_general3A_51 : vector<512x1024xf32>
    %reduce_min3A_56 = arith.constant dense<0x7F800000> : vector<1024xf32>
    %reduce_min3A_57 = vector.multi_reduction <minimumf>, %sub3A_55, %reduce_min3A_56 [0] : vector<512x1024xf32> to vector<1024xf32>
    %broadcast_in_dim3A_58 = vector.shape_cast %reduce_min3A_57 : vector<1024xf32> to vector<1x1024xf32>
    %iota3A_59 = tpu.iota {dimensions = array<i32: 0>} : vector<512x1024xi32>
    %eq3A_60 = vector.broadcast %broadcast_in_dim3A_58 : vector<1x1024xf32> to vector<512x1024xf32>
    %eq3A_61 = arith.cmpf oeq, %sub3A_55, %eq3A_60 : vector<512x1024xf32>
    %jit3A_62 = arith.constant 512 : i32
    %broadcast_in_dim3A_63 = vector.broadcast %jit3A_62 : i32 to vector<512x1024xi32>
    %select_n3A_64 = arith.select %eq3A_61, %iota3A_59, %broadcast_in_dim3A_63 : vector<512x1024xi1>, vector<512x1024xi32>
    %reduce_min3A_65 = arith.constant dense<2147483647> : vector<1024xi32>
    %reduce_min3A_66 = vector.multi_reduction <minsi>, %select_n3A_64, %reduce_min3A_65 [0] : vector<512x1024xi32> to vector<1024xi32>
    %broadcast_in_dim3A_67 = vector.shape_cast %reduce_min3A_66 : vector<1024xi32> to vector<1x1024xi32>
    %swap3A_68 = arith.constant 1 : index
    %swap3A_69 = arith.constant 0 : index
    %swap3A_70 = arith.constant 0 : index
    %swap3A_71 = vector.load %arg5[%swap3A_68, %swap3A_69, %swap3A_70] : memref<8x1x1024xi32, #tpu.memory_space<vmem>>, vector<1x1x1024xi32>
    %swap3A_72 = vector.shape_cast %swap3A_71 : vector<1x1x1024xi32> to vector<1x1024xi32>
    %swap3A_73 = vector.shape_cast %broadcast_in_dim3A_67 : vector<1x1024xi32> to vector<1x1x1024xi32>
    tpu.vector_store %arg5[%swap3A_68, %swap3A_69, %swap3A_70], %swap3A_73 {strides = array<i32>} : memref<8x1x1024xi32, #tpu.memory_space<vmem>>, vector<1x1x1024xi32>,
    %reduce_sum3A_74 = vector.shape_cast %broadcast_in_dim3A_58 : vector<1x1024xf32> to vector<1x1x1024xf32>
    %reduce_sum3A_75 = arith.constant dense<0.000000e+00> : vector<1xf32>
    %reduce_sum3A_76 = vector.multi_reduction <add>, %reduce_sum3A_74, %reduce_sum3A_75 [1, 2] : vector<1x1x1024xf32> to vector<1xf32>
    %reduce_sum3A_77 = vector.shape_cast %reduce_sum3A_76 : vector<1xf32> to vector<1x1x1xf32>
    %reduce_sum3A_78 = vector.extract %reduce_sum3A_77[0, 0, 0] : f32 from vector<1x1x1xf32>
    %mul3A_79 = arith.constant 8 : i32
    %mul3A_80 = arith.muli %arg0, %mul3A_79 : i32
    %add3A_81 = arith.constant 1 : i32
    %add3A_82 = arith.addi %mul3A_80, %add3A_81 : i32
    %swap3A_83 = arith.index_cast %add3A_82 : i32 to index
    %swap3A_84 = arith.constant 0 : index
    %swap3A_85 = memref.load %arg6[%swap3A_83, %swap3A_84] : memref<64x1xf32, #tpu.memory_space<smem>>
    memref.store %reduce_sum3A_78, %arg6[%swap3A_83, %swap3A_84] : memref<64x1xf32, #tpu.memory_space<smem>>
    %get3A_86 = arith.constant 2 : index
    %get3A_87 = arith.constant 0 : index
    %get3A_88 = arith.constant 0 : index
    %get3A_89 = vector.load %arg1[%get3A_86, %get3A_87, %get3A_88] : memref<8x64x1024xf32, #tpu.memory_space<vmem>>, vector<1x64x1024xf32>
    %get3A_90 = vector.shape_cast %get3A_89 : vector<1x64x1024xf32> to vector<64x1024xf32>
    %get3A_91 = arith.constant 2 : index
    %get3A_92 = arith.constant 0 : index
    %get3A_93 = arith.constant 0 : index
    %get3A_94 = vector.load %arg3[%get3A_91, %get3A_92, %get3A_93] : memref<8x1x1024xf32, #tpu.memory_space<vmem>>, vector<1x1x1024xf32>
    %get3A_95 = vector.shape_cast %get3A_94 : vector<1x1x1024xf32> to vector<1x1024xf32>
    %convert_element_type3A_96 = arith.truncf %get3A_90 : vector<64x1024xf32> to vector<64x1024xbf16>
    %dot_general3A_97 = arith.constant dense<0.000000e+00> : vector<512x1024xf32>
    %dot_general3A_98 = tpu.matmul %get3A_1, %convert_element_type3A_96, %dot_general3A_97 {dimension_numbers = #tpu.dot_dimension_numbers<[1], [0], [0], [1], [0, 0, 1, 1], [], []>, transpose_lhs_hint = false} : vector<512x64xbf16>, vector<64x1024xbf16>, vector<512x1024xf32> -> vector<512x1024xf32>
    %add3A_99 = vector.broadcast %get3A_95 : vector<1x1024xf32> to vector<512x1024xf32>
    %add3A_100 = vector.broadcast %get3A_4 : vector<512x1xf32> to vector<512x1024xf32>
    %add3A_101 = arith.addf %add3A_99, %add3A_100 : vector<512x1024xf32>
    %sub3A_102 = arith.subf %add3A_101, %dot_general3A_98 : vector<512x1024xf32>
    %reduce_min3A_103 = arith.constant dense<0x7F800000> : vector<1024xf32>
    %reduce_min3A_104 = vector.multi_reduction <minimumf>, %sub3A_102, %reduce_min3A_103 [0] : vector<512x1024xf32> to vector<1024xf32>
    %broadcast_in_dim3A_105 = vector.shape_cast %reduce_min3A_104 : vector<1024xf32> to vector<1x1024xf32>
    %iota3A_106 = tpu.iota {dimensions = array<i32: 0>} : vector<512x1024xi32>
    %eq3A_107 = vector.broadcast %broadcast_in_dim3A_105 : vector<1x1024xf32> to vector<512x1024xf32>
    %eq3A_108 = arith.cmpf oeq, %sub3A_102, %eq3A_107 : vector<512x1024xf32>
    %jit3A_109 = arith.constant 512 : i32
    %broadcast_in_dim3A_110 = vector.broadcast %jit3A_109 : i32 to vector<512x1024xi32>
    %select_n3A_111 = arith.select %eq3A_108, %iota3A_106, %broadcast_in_dim3A_110 : vector<512x1024xi1>, vector<512x1024xi32>
    %reduce_min3A_112 = arith.constant dense<2147483647> : vector<1024xi32>
    %reduce_min3A_113 = vector.multi_reduction <minsi>, %select_n3A_111, %reduce_min3A_112 [0] : vector<512x1024xi32> to vector<1024xi32>
    %broadcast_in_dim3A_114 = vector.shape_cast %reduce_min3A_113 : vector<1024xi32> to vector<1x1024xi32>
    %swap3A_115 = arith.constant 2 : index
    %swap3A_116 = arith.constant 0 : index
    %swap3A_117 = arith.constant 0 : index
    %swap3A_118 = vector.load %arg5[%swap3A_115, %swap3A_116, %swap3A_117] : memref<8x1x1024xi32, #tpu.memory_space<vmem>>, vector<1x1x1024xi32>
    %swap3A_119 = vector.shape_cast %swap3A_118 : vector<1x1x1024xi32> to vector<1x1024xi32>
    %swap3A_120 = vector.shape_cast %broadcast_in_dim3A_114 : vector<1x1024xi32> to vector<1x1x1024xi32>
    tpu.vector_store %arg5[%swap3A_115, %swap3A_116, %swap3A_117], %swap3A_120 {strides = array<i32>} : memref<8x1x1024xi32, #tpu.memory_space<vmem>>, vector<1x1x1024xi32>,
    %reduce_sum3A_121 = vector.shape_cast %broadcast_in_dim3A_105 : vector<1x1024xf32> to vector<1x1x1024xf32>
    %reduce_sum3A_122 = arith.constant dense<0.000000e+00> : vector<1xf32>
    %reduce_sum3A_123 = vector.multi_reduction <add>, %reduce_sum3A_121, %reduce_sum3A_122 [1, 2] : vector<1x1x1024xf32> to vector<1xf32>
    %reduce_sum3A_124 = vector.shape_cast %reduce_sum3A_123 : vector<1xf32> to vector<1x1x1xf32>
    %reduce_sum3A_125 = vector.extract %reduce_sum3A_124[0, 0, 0] : f32 from vector<1x1x1xf32>
    %mul3A_126 = arith.constant 8 : i32
    %mul3A_127 = arith.muli %arg0, %mul3A_126 : i32
    %add3A_128 = arith.constant 2 : i32
    %add3A_129 = arith.addi %mul3A_127, %add3A_128 : i32
    %swap3A_130 = arith.index_cast %add3A_129 : i32 to index
    %swap3A_131 = arith.constant 0 : index
    %swap3A_132 = memref.load %arg6[%swap3A_130, %swap3A_131] : memref<64x1xf32, #tpu.memory_space<smem>>
    memref.store %reduce_sum3A_125, %arg6[%swap3A_130, %swap3A_131] : memref<64x1xf32, #tpu.memory_space<smem>>
    %get3A_133 = arith.constant 3 : index
    %get3A_134 = arith.constant 0 : index
    %get3A_135 = arith.constant 0 : index
    %get3A_136 = vector.load %arg1[%get3A_133, %get3A_134, %get3A_135] : memref<8x64x1024xf32, #tpu.memory_space<vmem>>, vector<1x64x1024xf32>
    %get3A_137 = vector.shape_cast %get3A_136 : vector<1x64x1024xf32> to vector<64x1024xf32>
    %get3A_138 = arith.constant 3 : index
    %get3A_139 = arith.constant 0 : index
    %get3A_140 = arith.constant 0 : index
    %get3A_141 = vector.load %arg3[%get3A_138, %get3A_139, %get3A_140] : memref<8x1x1024xf32, #tpu.memory_space<vmem>>, vector<1x1x1024xf32>
    %get3A_142 = vector.shape_cast %get3A_141 : vector<1x1x1024xf32> to vector<1x1024xf32>
    %convert_element_type3A_143 = arith.truncf %get3A_137 : vector<64x1024xf32> to vector<64x1024xbf16>
    %dot_general3A_144 = arith.constant dense<0.000000e+00> : vector<512x1024xf32>
    %dot_general3A_145 = tpu.matmul %get3A_1, %convert_element_type3A_143, %dot_general3A_144 {dimension_numbers = #tpu.dot_dimension_numbers<[1], [0], [0], [1], [0, 0, 1, 1], [], []>, transpose_lhs_hint = false} : vector<512x64xbf16>, vector<64x1024xbf16>, vector<512x1024xf32> -> vector<512x1024xf32>
    %add3A_146 = vector.broadcast %get3A_142 : vector<1x1024xf32> to vector<512x1024xf32>
    %add3A_147 = vector.broadcast %get3A_4 : vector<512x1xf32> to vector<512x1024xf32>
    %add3A_148 = arith.addf %add3A_146, %add3A_147 : vector<512x1024xf32>
    %sub3A_149 = arith.subf %add3A_148, %dot_general3A_145 : vector<512x1024xf32>
    %reduce_min3A_150 = arith.constant dense<0x7F800000> : vector<1024xf32>
    %reduce_min3A_151 = vector.multi_reduction <minimumf>, %sub3A_149, %reduce_min3A_150 [0] : vector<512x1024xf32> to vector<1024xf32>
    %broadcast_in_dim3A_152 = vector.shape_cast %reduce_min3A_151 : vector<1024xf32> to vector<1x1024xf32>
    %iota3A_153 = tpu.iota {dimensions = array<i32: 0>} : vector<512x1024xi32>
    %eq3A_154 = vector.broadcast %broadcast_in_dim3A_152 : vector<1x1024xf32> to vector<512x1024xf32>
    %eq3A_155 = arith.cmpf oeq, %sub3A_149, %eq3A_154 : vector<512x1024xf32>
    %jit3A_156 = arith.constant 512 : i32
    %broadcast_in_dim3A_157 = vector.broadcast %jit3A_156 : i32 to vector<512x1024xi32>
    %select_n3A_158 = arith.select %eq3A_155, %iota3A_153, %broadcast_in_dim3A_157 : vector<512x1024xi1>, vector<512x1024xi32>
    %reduce_min3A_159 = arith.constant dense<2147483647> : vector<1024xi32>
    %reduce_min3A_160 = vector.multi_reduction <minsi>, %select_n3A_158, %reduce_min3A_159 [0] : vector<512x1024xi32> to vector<1024xi32>
    %broadcast_in_dim3A_161 = vector.shape_cast %reduce_min3A_160 : vector<1024xi32> to vector<1x1024xi32>
    %swap3A_162 = arith.constant 3 : index
    %swap3A_163 = arith.constant 0 : index
    %swap3A_164 = arith.constant 0 : index
    %swap3A_165 = vector.load %arg5[%swap3A_162, %swap3A_163, %swap3A_164] : memref<8x1x1024xi32, #tpu.memory_space<vmem>>, vector<1x1x1024xi32>
    %swap3A_166 = vector.shape_cast %swap3A_165 : vector<1x1x1024xi32> to vector<1x1024xi32>
    %swap3A_167 = vector.shape_cast %broadcast_in_dim3A_161 : vector<1x1024xi32> to vector<1x1x1024xi32>
    tpu.vector_store %arg5[%swap3A_162, %swap3A_163, %swap3A_164], %swap3A_167 {strides = array<i32>} : memref<8x1x1024xi32, #tpu.memory_space<vmem>>, vector<1x1x1024xi32>,
    %reduce_sum3A_168 = vector.shape_cast %broadcast_in_dim3A_152 : vector<1x1024xf32> to vector<1x1x1024xf32>
    %reduce_sum3A_169 = arith.constant dense<0.000000e+00> : vector<1xf32>
    %reduce_sum3A_170 = vector.multi_reduction <add>, %reduce_sum3A_168, %reduce_sum3A_169 [1, 2] : vector<1x1x1024xf32> to vector<1xf32>
    %reduce_sum3A_171 = vector.shape_cast %reduce_sum3A_170 : vector<1xf32> to vector<1x1x1xf32>
    %reduce_sum3A_172 = vector.extract %reduce_sum3A_171[0, 0, 0] : f32 from vector<1x1x1xf32>
    %mul3A_173 = arith.constant 8 : i32
    %mul3A_174 = arith.muli %arg0, %mul3A_173 : i32
    %add3A_175 = arith.constant 3 : i32
    %add3A_176 = arith.addi %mul3A_174, %add3A_175 : i32
    %swap3A_177 = arith.index_cast %add3A_176 : i32 to index
    %swap3A_178 = arith.constant 0 : index
    %swap3A_179 = memref.load %arg6[%swap3A_177, %swap3A_178] : memref<64x1xf32, #tpu.memory_space<smem>>
    memref.store %reduce_sum3A_172, %arg6[%swap3A_177, %swap3A_178] : memref<64x1xf32, #tpu.memory_space<smem>>
    %get3A_180 = arith.constant 4 : index
    %get3A_181 = arith.constant 0 : index
    %get3A_182 = arith.constant 0 : index
    %get3A_183 = vector.load %arg1[%get3A_180, %get3A_181, %get3A_182] : memref<8x64x1024xf32, #tpu.memory_space<vmem>>, vector<1x64x1024xf32>
    %get3A_184 = vector.shape_cast %get3A_183 : vector<1x64x1024xf32> to vector<64x1024xf32>
    %get3A_185 = arith.constant 4 : index
    %get3A_186 = arith.constant 0 : index
    %get3A_187 = arith.constant 0 : index
    %get3A_188 = vector.load %arg3[%get3A_185, %get3A_186, %get3A_187] : memref<8x1x1024xf32, #tpu.memory_space<vmem>>, vector<1x1x1024xf32>
    %get3A_189 = vector.shape_cast %get3A_188 : vector<1x1x1024xf32> to vector<1x1024xf32>
    %convert_element_type3A_190 = arith.truncf %get3A_184 : vector<64x1024xf32> to vector<64x1024xbf16>
    %dot_general3A_191 = arith.constant dense<0.000000e+00> : vector<512x1024xf32>
    %dot_general3A_192 = tpu.matmul %get3A_1, %convert_element_type3A_190, %dot_general3A_191 {dimension_numbers = #tpu.dot_dimension_numbers<[1], [0], [0], [1], [0, 0, 1, 1], [], []>, transpose_lhs_hint = false} : vector<512x64xbf16>, vector<64x1024xbf16>, vector<512x1024xf32> -> vector<512x1024xf32>
    %add3A_193 = vector.broadcast %get3A_189 : vector<1x1024xf32> to vector<512x1024xf32>
    %add3A_194 = vector.broadcast %get3A_4 : vector<512x1xf32> to vector<512x1024xf32>
    %add3A_195 = arith.addf %add3A_193, %add3A_194 : vector<512x1024xf32>
    %sub3A_196 = arith.subf %add3A_195, %dot_general3A_192 : vector<512x1024xf32>
    %reduce_min3A_197 = arith.constant dense<0x7F800000> : vector<1024xf32>
    %reduce_min3A_198 = vector.multi_reduction <minimumf>, %sub3A_196, %reduce_min3A_197 [0] : vector<512x1024xf32> to vector<1024xf32>
    %broadcast_in_dim3A_199 = vector.shape_cast %reduce_min3A_198 : vector<1024xf32> to vector<1x1024xf32>
    %iota3A_200 = tpu.iota {dimensions = array<i32: 0>} : vector<512x1024xi32>
    %eq3A_201 = vector.broadcast %broadcast_in_dim3A_199 : vector<1x1024xf32> to vector<512x1024xf32>
    %eq3A_202 = arith.cmpf oeq, %sub3A_196, %eq3A_201 : vector<512x1024xf32>
    %jit3A_203 = arith.constant 512 : i32
    %broadcast_in_dim3A_204 = vector.broadcast %jit3A_203 : i32 to vector<512x1024xi32>
    %select_n3A_205 = arith.select %eq3A_202, %iota3A_200, %broadcast_in_dim3A_204 : vector<512x1024xi1>, vector<512x1024xi32>
    %reduce_min3A_206 = arith.constant dense<2147483647> : vector<1024xi32>
    %reduce_min3A_207 = vector.multi_reduction <minsi>, %select_n3A_205, %reduce_min3A_206 [0] : vector<512x1024xi32> to vector<1024xi32>
    %broadcast_in_dim3A_208 = vector.shape_cast %reduce_min3A_207 : vector<1024xi32> to vector<1x1024xi32>
    %swap3A_209 = arith.constant 4 : index
    %swap3A_210 = arith.constant 0 : index
    %swap3A_211 = arith.constant 0 : index
    %swap3A_212 = vector.load %arg5[%swap3A_209, %swap3A_210, %swap3A_211] : memref<8x1x1024xi32, #tpu.memory_space<vmem>>, vector<1x1x1024xi32>
    %swap3A_213 = vector.shape_cast %swap3A_212 : vector<1x1x1024xi32> to vector<1x1024xi32>
    %swap3A_214 = vector.shape_cast %broadcast_in_dim3A_208 : vector<1x1024xi32> to vector<1x1x1024xi32>
    tpu.vector_store %arg5[%swap3A_209, %swap3A_210, %swap3A_211], %swap3A_214 {strides = array<i32>} : memref<8x1x1024xi32, #tpu.memory_space<vmem>>, vector<1x1x1024xi32>,
    %reduce_sum3A_215 = vector.shape_cast %broadcast_in_dim3A_199 : vector<1x1024xf32> to vector<1x1x1024xf32>
    %reduce_sum3A_216 = arith.constant dense<0.000000e+00> : vector<1xf32>
    %reduce_sum3A_217 = vector.multi_reduction <add>, %reduce_sum3A_215, %reduce_sum3A_216 [1, 2] : vector<1x1x1024xf32> to vector<1xf32>
    %reduce_sum3A_218 = vector.shape_cast %reduce_sum3A_217 : vector<1xf32> to vector<1x1x1xf32>
    %reduce_sum3A_219 = vector.extract %reduce_sum3A_218[0, 0, 0] : f32 from vector<1x1x1xf32>
    %mul3A_220 = arith.constant 8 : i32
    %mul3A_221 = arith.muli %arg0, %mul3A_220 : i32
    %add3A_222 = arith.constant 4 : i32
    %add3A_223 = arith.addi %mul3A_221, %add3A_222 : i32
    %swap3A_224 = arith.index_cast %add3A_223 : i32 to index
    %swap3A_225 = arith.constant 0 : index
    %swap3A_226 = memref.load %arg6[%swap3A_224, %swap3A_225] : memref<64x1xf32, #tpu.memory_space<smem>>
    memref.store %reduce_sum3A_219, %arg6[%swap3A_224, %swap3A_225] : memref<64x1xf32, #tpu.memory_space<smem>>
    %get3A_227 = arith.constant 5 : index
    %get3A_228 = arith.constant 0 : index
    %get3A_229 = arith.constant 0 : index
    %get3A_230 = vector.load %arg1[%get3A_227, %get3A_228, %get3A_229] : memref<8x64x1024xf32, #tpu.memory_space<vmem>>, vector<1x64x1024xf32>
    %get3A_231 = vector.shape_cast %get3A_230 : vector<1x64x1024xf32> to vector<64x1024xf32>
    %get3A_232 = arith.constant 5 : index
    %get3A_233 = arith.constant 0 : index
    %get3A_234 = arith.constant 0 : index
    %get3A_235 = vector.load %arg3[%get3A_232, %get3A_233, %get3A_234] : memref<8x1x1024xf32, #tpu.memory_space<vmem>>, vector<1x1x1024xf32>
    %get3A_236 = vector.shape_cast %get3A_235 : vector<1x1x1024xf32> to vector<1x1024xf32>
    %convert_element_type3A_237 = arith.truncf %get3A_231 : vector<64x1024xf32> to vector<64x1024xbf16>
    %dot_general3A_238 = arith.constant dense<0.000000e+00> : vector<512x1024xf32>
    %dot_general3A_239 = tpu.matmul %get3A_1, %convert_element_type3A_237, %dot_general3A_238 {dimension_numbers = #tpu.dot_dimension_numbers<[1], [0], [0], [1], [0, 0, 1, 1], [], []>, transpose_lhs_hint = false} : vector<512x64xbf16>, vector<64x1024xbf16>, vector<512x1024xf32> -> vector<512x1024xf32>
    %add3A_240 = vector.broadcast %get3A_236 : vector<1x1024xf32> to vector<512x1024xf32>
    %add3A_241 = vector.broadcast %get3A_4 : vector<512x1xf32> to vector<512x1024xf32>
    %add3A_242 = arith.addf %add3A_240, %add3A_241 : vector<512x1024xf32>
    %sub3A_243 = arith.subf %add3A_242, %dot_general3A_239 : vector<512x1024xf32>
    %reduce_min3A_244 = arith.constant dense<0x7F800000> : vector<1024xf32>
    %reduce_min3A_245 = vector.multi_reduction <minimumf>, %sub3A_243, %reduce_min3A_244 [0] : vector<512x1024xf32> to vector<1024xf32>
    %broadcast_in_dim3A_246 = vector.shape_cast %reduce_min3A_245 : vector<1024xf32> to vector<1x1024xf32>
    %iota3A_247 = tpu.iota {dimensions = array<i32: 0>} : vector<512x1024xi32>
    %eq3A_248 = vector.broadcast %broadcast_in_dim3A_246 : vector<1x1024xf32> to vector<512x1024xf32>
    %eq3A_249 = arith.cmpf oeq, %sub3A_243, %eq3A_248 : vector<512x1024xf32>
    %jit3A_250 = arith.constant 512 : i32
    %broadcast_in_dim3A_251 = vector.broadcast %jit3A_250 : i32 to vector<512x1024xi32>
    %select_n3A_252 = arith.select %eq3A_249, %iota3A_247, %broadcast_in_dim3A_251 : vector<512x1024xi1>, vector<512x1024xi32>
    %reduce_min3A_253 = arith.constant dense<2147483647> : vector<1024xi32>
    %reduce_min3A_254 = vector.multi_reduction <minsi>, %select_n3A_252, %reduce_min3A_253 [0] : vector<512x1024xi32> to vector<1024xi32>
    %broadcast_in_dim3A_255 = vector.shape_cast %reduce_min3A_254 : vector<1024xi32> to vector<1x1024xi32>
    %swap3A_256 = arith.constant 5 : index
    %swap3A_257 = arith.constant 0 : index
    %swap3A_258 = arith.constant 0 : index
    %swap3A_259 = vector.load %arg5[%swap3A_256, %swap3A_257, %swap3A_258] : memref<8x1x1024xi32, #tpu.memory_space<vmem>>, vector<1x1x1024xi32>
    %swap3A_260 = vector.shape_cast %swap3A_259 : vector<1x1x1024xi32> to vector<1x1024xi32>
    %swap3A_261 = vector.shape_cast %broadcast_in_dim3A_255 : vector<1x1024xi32> to vector<1x1x1024xi32>
    tpu.vector_store %arg5[%swap3A_256, %swap3A_257, %swap3A_258], %swap3A_261 {strides = array<i32>} : memref<8x1x1024xi32, #tpu.memory_space<vmem>>, vector<1x1x1024xi32>,
    %reduce_sum3A_262 = vector.shape_cast %broadcast_in_dim3A_246 : vector<1x1024xf32> to vector<1x1x1024xf32>
    %reduce_sum3A_263 = arith.constant dense<0.000000e+00> : vector<1xf32>
    %reduce_sum3A_264 = vector.multi_reduction <add>, %reduce_sum3A_262, %reduce_sum3A_263 [1, 2] : vector<1x1x1024xf32> to vector<1xf32>
    %reduce_sum3A_265 = vector.shape_cast %reduce_sum3A_264 : vector<1xf32> to vector<1x1x1xf32>
    %reduce_sum3A_266 = vector.extract %reduce_sum3A_265[0, 0, 0] : f32 from vector<1x1x1xf32>
    %mul3A_267 = arith.constant 8 : i32
    %mul3A_268 = arith.muli %arg0, %mul3A_267 : i32
    %add3A_269 = arith.constant 5 : i32
    %add3A_270 = arith.addi %mul3A_268, %add3A_269 : i32
    %swap3A_271 = arith.index_cast %add3A_270 : i32 to index
    %swap3A_272 = arith.constant 0 : index
    %swap3A_273 = memref.load %arg6[%swap3A_271, %swap3A_272] : memref<64x1xf32, #tpu.memory_space<smem>>
    memref.store %reduce_sum3A_266, %arg6[%swap3A_271, %swap3A_272] : memref<64x1xf32, #tpu.memory_space<smem>>
    %get3A_274 = arith.constant 6 : index
    %get3A_275 = arith.constant 0 : index
    %get3A_276 = arith.constant 0 : index
    %get3A_277 = vector.load %arg1[%get3A_274, %get3A_275, %get3A_276] : memref<8x64x1024xf32, #tpu.memory_space<vmem>>, vector<1x64x1024xf32>
    %get3A_278 = vector.shape_cast %get3A_277 : vector<1x64x1024xf32> to vector<64x1024xf32>
    %get3A_279 = arith.constant 6 : index
    %get3A_280 = arith.constant 0 : index
    %get3A_281 = arith.constant 0 : index
    %get3A_282 = vector.load %arg3[%get3A_279, %get3A_280, %get3A_281] : memref<8x1x1024xf32, #tpu.memory_space<vmem>>, vector<1x1x1024xf32>
    %get3A_283 = vector.shape_cast %get3A_282 : vector<1x1x1024xf32> to vector<1x1024xf32>
    %convert_element_type3A_284 = arith.truncf %get3A_278 : vector<64x1024xf32> to vector<64x1024xbf16>
    %dot_general3A_285 = arith.constant dense<0.000000e+00> : vector<512x1024xf32>
    %dot_general3A_286 = tpu.matmul %get3A_1, %convert_element_type3A_284, %dot_general3A_285 {dimension_numbers = #tpu.dot_dimension_numbers<[1], [0], [0], [1], [0, 0, 1, 1], [], []>, transpose_lhs_hint = false} : vector<512x64xbf16>, vector<64x1024xbf16>, vector<512x1024xf32> -> vector<512x1024xf32>
    %add3A_287 = vector.broadcast %get3A_283 : vector<1x1024xf32> to vector<512x1024xf32>
    %add3A_288 = vector.broadcast %get3A_4 : vector<512x1xf32> to vector<512x1024xf32>
    %add3A_289 = arith.addf %add3A_287, %add3A_288 : vector<512x1024xf32>
    %sub3A_290 = arith.subf %add3A_289, %dot_general3A_286 : vector<512x1024xf32>
    %reduce_min3A_291 = arith.constant dense<0x7F800000> : vector<1024xf32>
    %reduce_min3A_292 = vector.multi_reduction <minimumf>, %sub3A_290, %reduce_min3A_291 [0] : vector<512x1024xf32> to vector<1024xf32>
    %broadcast_in_dim3A_293 = vector.shape_cast %reduce_min3A_292 : vector<1024xf32> to vector<1x1024xf32>
    %iota3A_294 = tpu.iota {dimensions = array<i32: 0>} : vector<512x1024xi32>
    %eq3A_295 = vector.broadcast %broadcast_in_dim3A_293 : vector<1x1024xf32> to vector<512x1024xf32>
    %eq3A_296 = arith.cmpf oeq, %sub3A_290, %eq3A_295 : vector<512x1024xf32>
    %jit3A_297 = arith.constant 512 : i32
    %broadcast_in_dim3A_298 = vector.broadcast %jit3A_297 : i32 to vector<512x1024xi32>
    %select_n3A_299 = arith.select %eq3A_296, %iota3A_294, %broadcast_in_dim3A_298 : vector<512x1024xi1>, vector<512x1024xi32>
    %reduce_min3A_300 = arith.constant dense<2147483647> : vector<1024xi32>
    %reduce_min3A_301 = vector.multi_reduction <minsi>, %select_n3A_299, %reduce_min3A_300 [0] : vector<512x1024xi32> to vector<1024xi32>
    %broadcast_in_dim3A_302 = vector.shape_cast %reduce_min3A_301 : vector<1024xi32> to vector<1x1024xi32>
    %swap3A_303 = arith.constant 6 : index
    %swap3A_304 = arith.constant 0 : index
    %swap3A_305 = arith.constant 0 : index
    %swap3A_306 = vector.load %arg5[%swap3A_303, %swap3A_304, %swap3A_305] : memref<8x1x1024xi32, #tpu.memory_space<vmem>>, vector<1x1x1024xi32>
    %swap3A_307 = vector.shape_cast %swap3A_306 : vector<1x1x1024xi32> to vector<1x1024xi32>
    %swap3A_308 = vector.shape_cast %broadcast_in_dim3A_302 : vector<1x1024xi32> to vector<1x1x1024xi32>
    tpu.vector_store %arg5[%swap3A_303, %swap3A_304, %swap3A_305], %swap3A_308 {strides = array<i32>} : memref<8x1x1024xi32, #tpu.memory_space<vmem>>, vector<1x1x1024xi32>,
    %reduce_sum3A_309 = vector.shape_cast %broadcast_in_dim3A_293 : vector<1x1024xf32> to vector<1x1x1024xf32>
    %reduce_sum3A_310 = arith.constant dense<0.000000e+00> : vector<1xf32>
    %reduce_sum3A_311 = vector.multi_reduction <add>, %reduce_sum3A_309, %reduce_sum3A_310 [1, 2] : vector<1x1x1024xf32> to vector<1xf32>
    %reduce_sum3A_312 = vector.shape_cast %reduce_sum3A_311 : vector<1xf32> to vector<1x1x1xf32>
    %reduce_sum3A_313 = vector.extract %reduce_sum3A_312[0, 0, 0] : f32 from vector<1x1x1xf32>
    %mul3A_314 = arith.constant 8 : i32
    %mul3A_315 = arith.muli %arg0, %mul3A_314 : i32
    %add3A_316 = arith.constant 6 : i32
    %add3A_317 = arith.addi %mul3A_315, %add3A_316 : i32
    %swap3A_318 = arith.index_cast %add3A_317 : i32 to index
    %swap3A_319 = arith.constant 0 : index
    %swap3A_320 = memref.load %arg6[%swap3A_318, %swap3A_319] : memref<64x1xf32, #tpu.memory_space<smem>>
    memref.store %reduce_sum3A_313, %arg6[%swap3A_318, %swap3A_319] : memref<64x1xf32, #tpu.memory_space<smem>>
    %get3A_321 = arith.constant 7 : index
    %get3A_322 = arith.constant 0 : index
    %get3A_323 = arith.constant 0 : index
    %get3A_324 = vector.load %arg1[%get3A_321, %get3A_322, %get3A_323] : memref<8x64x1024xf32, #tpu.memory_space<vmem>>, vector<1x64x1024xf32>
    %get3A_325 = vector.shape_cast %get3A_324 : vector<1x64x1024xf32> to vector<64x1024xf32>
    %get3A_326 = arith.constant 7 : index
    %get3A_327 = arith.constant 0 : index
    %get3A_328 = arith.constant 0 : index
    %get3A_329 = vector.load %arg3[%get3A_326, %get3A_327, %get3A_328] : memref<8x1x1024xf32, #tpu.memory_space<vmem>>, vector<1x1x1024xf32>
    %get3A_330 = vector.shape_cast %get3A_329 : vector<1x1x1024xf32> to vector<1x1024xf32>
    %convert_element_type3A_331 = arith.truncf %get3A_325 : vector<64x1024xf32> to vector<64x1024xbf16>
    %dot_general3A_332 = arith.constant dense<0.000000e+00> : vector<512x1024xf32>
    %dot_general3A_333 = tpu.matmul %get3A_1, %convert_element_type3A_331, %dot_general3A_332 {dimension_numbers = #tpu.dot_dimension_numbers<[1], [0], [0], [1], [0, 0, 1, 1], [], []>, transpose_lhs_hint = false} : vector<512x64xbf16>, vector<64x1024xbf16>, vector<512x1024xf32> -> vector<512x1024xf32>
    %add3A_334 = vector.broadcast %get3A_330 : vector<1x1024xf32> to vector<512x1024xf32>
    %add3A_335 = vector.broadcast %get3A_4 : vector<512x1xf32> to vector<512x1024xf32>
    %add3A_336 = arith.addf %add3A_334, %add3A_335 : vector<512x1024xf32>
    %sub3A_337 = arith.subf %add3A_336, %dot_general3A_333 : vector<512x1024xf32>
    %reduce_min3A_338 = arith.constant dense<0x7F800000> : vector<1024xf32>
    %reduce_min3A_339 = vector.multi_reduction <minimumf>, %sub3A_337, %reduce_min3A_338 [0] : vector<512x1024xf32> to vector<1024xf32>
    %broadcast_in_dim3A_340 = vector.shape_cast %reduce_min3A_339 : vector<1024xf32> to vector<1x1024xf32>
    %iota3A_341 = tpu.iota {dimensions = array<i32: 0>} : vector<512x1024xi32>
    %eq3A_342 = vector.broadcast %broadcast_in_dim3A_340 : vector<1x1024xf32> to vector<512x1024xf32>
    %eq3A_343 = arith.cmpf oeq, %sub3A_337, %eq3A_342 : vector<512x1024xf32>
    %jit3A_344 = arith.constant 512 : i32
    %broadcast_in_dim3A_345 = vector.broadcast %jit3A_344 : i32 to vector<512x1024xi32>
    %select_n3A_346 = arith.select %eq3A_343, %iota3A_341, %broadcast_in_dim3A_345 : vector<512x1024xi1>, vector<512x1024xi32>
    %reduce_min3A_347 = arith.constant dense<2147483647> : vector<1024xi32>
    %reduce_min3A_348 = vector.multi_reduction <minsi>, %select_n3A_346, %reduce_min3A_347 [0] : vector<512x1024xi32> to vector<1024xi32>
    %broadcast_in_dim3A_349 = vector.shape_cast %reduce_min3A_348 : vector<1024xi32> to vector<1x1024xi32>
    %swap3A_350 = arith.constant 7 : index
    %swap3A_351 = arith.constant 0 : index
    %swap3A_352 = arith.constant 0 : index
    %swap3A_353 = vector.load %arg5[%swap3A_350, %swap3A_351, %swap3A_352] : memref<8x1x1024xi32, #tpu.memory_space<vmem>>, vector<1x1x1024xi32>
    %swap3A_354 = vector.shape_cast %swap3A_353 : vector<1x1x1024xi32> to vector<1x1024xi32>
    %swap3A_355 = vector.shape_cast %broadcast_in_dim3A_349 : vector<1x1024xi32> to vector<1x1x1024xi32>
    tpu.vector_store %arg5[%swap3A_350, %swap3A_351, %swap3A_352], %swap3A_355 {strides = array<i32>} : memref<8x1x1024xi32, #tpu.memory_space<vmem>>, vector<1x1x1024xi32>,
    %reduce_sum3A_356 = vector.shape_cast %broadcast_in_dim3A_340 : vector<1x1024xf32> to vector<1x1x1024xf32>
    %reduce_sum3A_357 = arith.constant dense<0.000000e+00> : vector<1xf32>
    %reduce_sum3A_358 = vector.multi_reduction <add>, %reduce_sum3A_356, %reduce_sum3A_357 [1, 2] : vector<1x1x1024xf32> to vector<1xf32>
    %reduce_sum3A_359 = vector.shape_cast %reduce_sum3A_358 : vector<1xf32> to vector<1x1x1xf32>
    %reduce_sum3A_360 = vector.extract %reduce_sum3A_359[0, 0, 0] : f32 from vector<1x1x1xf32>
    %mul3A_361 = arith.constant 8 : i32
    %mul3A_362 = arith.muli %arg0, %mul3A_361 : i32
    %add3A_363 = arith.constant 7 : i32
    %add3A_364 = arith.addi %mul3A_362, %add3A_363 : i32
    %swap3A_365 = arith.index_cast %add3A_364 : i32 to index
    %swap3A_366 = arith.constant 0 : index
    %swap3A_367 = memref.load %arg6[%swap3A_365, %swap3A_366] : memref<64x1xf32, #tpu.memory_space<smem>>
    memref.store %reduce_sum3A_360, %arg6[%swap3A_365, %swap3A_366] : memref<64x1xf32, #tpu.memory_space<smem>>
    return
  }
  func.func @transform_0(%arg0: i32) -> (i32, i32, i32) {
    %c0_i32 = arith.constant 0 : i32
    %c0_i32_0 = arith.constant 0 : i32
    %c0_i32_1 = arith.constant 0 : i32
    return %arg0, %c0_i32, %c0_i32_0 : i32, i32, i32
  }
  func.func @transform_1(%arg0: i32) -> (i32, i32) {
    %c0_i32 = arith.constant 0 : i32
    %c0_i32_0 = arith.constant 0 : i32
    %c0_i32_1 = arith.constant 0 : i32
    return %c0_i32, %c0_i32_0 : i32, i32
  }
  func.func @transform_2(%arg0: i32) -> (i32, i32, i32) {
    %c0_i32 = arith.constant 0 : i32
    %c0_i32_0 = arith.constant 0 : i32
    %c0_i32_1 = arith.constant 0 : i32
    return %arg0, %c0_i32, %c0_i32_0 : i32, i32, i32
  }
  func.func @transform_3(%arg0: i32) -> (i32, i32) {
    %c0_i32 = arith.constant 0 : i32
    %c0_i32_0 = arith.constant 0 : i32
    %c0_i32_1 = arith.constant 0 : i32
    return %c0_i32, %c0_i32_0 : i32, i32
  }
  func.func @transform_4(%arg0: i32) -> (i32, i32, i32) {
    %c0_i32 = arith.constant 0 : i32
    %c0_i32_0 = arith.constant 0 : i32
    %c0_i32_1 = arith.constant 0 : i32
    return %arg0, %c0_i32, %c0_i32_0 : i32, i32, i32
  }
  func.func @transform_5(%arg0: i32) -> (i32, i32) {
    %c0_i32 = arith.constant 0 : i32
    %c0_i32_0 = arith.constant 0 : i32
    %c0_i32_1 = arith.constant 0 : i32
    return %c0_i32, %c0_i32_0 : i32, i32
  }
}

</mosaic_0001>

<sc_bundles>
// kernel: kernel.4.cloned.1.call-start
scs
__scs_entry_jumppad:
0x0: {  	(pc) =	sbr.rel $0x88, $3  }
0x1: {  	(tag) =	ssettag $0x0;
	lr =	simm.s32 $0x1  }
0x2: {  	[smem:$0x3F9F] =	sst lr;
	_ =	strace $0xD0000000  }
0x3: {  	_ = 	snop  }
0x4: {  	_ = 	snop  }
0x5: {  	_ = 	snop  }
0x6: {  	_ = 	snop  }
0x7: {  	_ = 	snop  }
__scs_overlays_trampoline_lowered:
0x8: {  	[smem:$0x3FAE] =	sst s0  }
0x9: {  	[smem:$0x3FAF] =	sst s1  }
0xa: {  	[smem:$0x3FB0] =	sst s2  }
0xb: {  	[smem:$0x3FB1] =	sst s3  }
0xc: {  	[smem:$0x3FB2] =	sst s4  }
0xd: {  	[smem:$0x3FB3] =	sst s5  }
0xe: {  	[smem:$0x3FB4] =	sst s6  }
0xf: {  	[smem:$0x3FB5] =	sst s7  }
0x10: {  	[smem:$0x3FB6] =	sst s8  }
0x11: {  	[smem:$0x3FB7] =	sst s9;
	s0 =	simm.s32 @!p0 $0x0  }
0x12: {  	s1 =	sld [smem:$0x3F9D];
	s0 =	simm.s32 @p0 $0x1  }
0x13: {  	[smem:$0x3FB8] =	sst s0;
	s0 =	simm.s32 @!p1 $0x0  }
0x14: {  	s2 =	sld [smem:$0x3F9C];
	s0 =	simm.s32 @p1 $0x1  }
0x15: {  	[smem:$0x3FB9] =	sst s0;
	s0 =	simm.s32 @!p2 $0x0  }
0x16: {  	s3 =	sld [smem:$0x3FDB];
	s0 =	simm.s32 @p2 $0x1  }
0x17: {  	s4 =	simm.s32 $0x1BF5;
	[smem:$0x3FBB] =	sst s0  }
0x18: {  	s0 =	sld [smem:$0x3F9E];
	_ =	swait.ge [sflag:s4], $0x0  }
0x19: {  	s7 =	sld [smem:$0x3F9F]  }
0x1a: {  	s8 =	sadd.s32 $0xFFFFE003, lr  }
0x1b: {  	s9 =	sadd.s32 $0xFFFFFEF7, lr;
	s5 =	simm.s32 $0xFFFFFFFF;
	p2 =	slt.u32 s8, $0xFFFFF086  }
0x1c: {  	p1 =	slt.u32 s9, $0xF7A;
	s5 =	simm.s32 @!p2 $0x0  }
0x1d: {  	s5 =	simm.s32 @p1 $0x1;
	p0 =	seq.s32 s7, s2  }
0x1e: {  	s7 =	smul.u32 @!p0 $0xF7A, s2;
	p2 =	seq.s32 @!p0 s5, $0x0  }
0x1f: {  	s9 =	smul.u32 $0xF7A, s1;
	s8 =	simm.s32 @!p0 $0x1BF5;
	p2 =	por !p2, p0  }
0x20: {  	[sflag:s8] =	ssyncset.s32 @!p0 $0xFFFFF086;
	s6 =	sadd.s32 @!p0 s3, s7;
	s7 =	simm.s32 @!p0 $0x108  }
0x21: {  	s3 =	sadd.s32 s3, s9;
	s6 =	sadd.s32 @!p0 $0x88, s6;
	s7 =	simm.s32 @p2 $0x1082  }
0x22: {  	[simem:s7], [sflag:s8] =	dma.local @!p0 [hbm:s6], $0xF7A  }
0x23: {  	s9 =	sor.u32 $0xD0000000, s2;
	s6 =	simm.s32 $0x108;
	_ =	swait.ge @!p0 [sflag:s8], $0x0  }
0x24: {  	s3 =	sadd.s32 $0x88, s3;
	s6 =	simm.s32 @!p1 $0x1082;
	[sflag:s4] =	ssyncset.s32 $0xFFFFF086  }
0x25: {  	[simem:s6], [sflag:s4] =	dma.local [hbm:s3], $0xF7A  }
0x26: {  	[smem:$0x3F9F] =	sst s1;
	(tag) =	ssettag s2;
	_ =	strace s9  }
0x27: {  	s1 =	sld [smem:$0x3FAF]  }
0x28: {  	s2 =	sld [smem:$0x3FB0]  }
0x29: {  	s4 =	sld [smem:$0x3FB2]  }
0x2a: {  	p0 =	seq.s32 s5, $0x0;
	s5 =	sld [smem:$0x3FB3]  }
0x2b: {  	s6 =	sld [smem:$0x3FB4]  }
0x2c: {  	s7 =	sld [smem:$0x3FB5]  }
0x2d: {  	s3 =	simm.s32 $0x108;
	s8 =	sld [smem:$0x3FB6]  }
0x2e: {  	s3 =	simm.s32 @!p0 $0x1082;
	s9 =	sld [smem:$0x3FB7]  }
0x2f: {  	lr =	sadd.s32 s0, s3;
	s0 =	sld [smem:$0x3FAE]  }
0x30: {  	s3 =	sld [smem:$0x3FB1]  }
0x31: {  	[smem:$0x3FBA] =	sst s10  }
0x32: {  	s10 =	sld [smem:$0x3FB8];
	_ =	sdelay $0x3  }
0x33: {  	p0 =	seq.s32 s10, $0x1;
	s10 =	sld [smem:$0x3FBA];
	_ =	sdelay $0x3  }
0x34: {  	[smem:$0x3FBA] =	sst s10  }
0x35: {  	s10 =	sld [smem:$0x3FB9];
	_ =	sdelay $0x3  }
0x36: {  	p1 =	seq.s32 s10, $0x1;
	s10 =	sld [smem:$0x3FBA];
	_ =	sdelay $0x3  }
0x37: {  	[smem:$0x3FBA] =	sst s10  }
0x38: {  	s10 =	sld [smem:$0x3FBB]  }
0x39: {  	_ = 	snop;
	(pc) =	sbr.ind lr, $3  }
0x3a: {  	_ = 	snop  }
0x3b: {  	_ = 	snop  }
0x3c: {  	p2 =	seq.s32 s10, $0x1;
	s10 =	sld [smem:$0x3FBA]  }
0x3d: {  	_ =	shalt  }
0x3e: {  	_ =	shalt  }
0x3f: {  	_ =	shalt  }
0x40: {  	_ =	shalt  }
0x41: {  	_ =	shalt  }
0x42: {  	_ =	shalt  }
0x43: {  	_ =	shalt  }
0x44: {  	_ =	shalt  }
0x45: {  	_ =	shalt  }
0x46: {  	_ =	shalt  }
0x47: {  	_ =	shalt  }
0x48: {  	_ =	shalt  }
0x49: {  	_ =	shalt  }
0x4a: {  	_ =	shalt  }
0x4b: {  	_ =	shalt  }
0x4c: {  	_ =	shalt  }
0x4d: {  	_ =	shalt  }
0x4e: {  	_ =	shalt  }
0x4f: {  	_ =	shalt  }
0x50: {  	_ =	shalt  }
0x51: {  	_ =	shalt  }
0x52: {  	_ =	shalt  }
0x53: {  	_ =	shalt  }
0x54: {  	_ =	shalt  }
0x55: {  	_ =	shalt  }
0x56: {  	_ =	shalt  }
0x57: {  	_ =	shalt  }
0x58: {  	_ =	shalt  }
0x59: {  	_ =	shalt  }
0x5a: {  	_ =	shalt  }
0x5b: {  	_ =	shalt  }
0x5c: {  	_ =	shalt  }
0x5d: {  	_ =	shalt  }
0x5e: {  	_ =	shalt  }
0x5f: {  	_ =	shalt  }
0x60: {  	_ =	shalt  }
0x61: {  	_ =	shalt  }
0x62: {  	_ =	shalt  }
0x63: {  	_ =	shalt  }
0x64: {  	_ =	shalt  }
0x65: {  	_ =	shalt  }
0x66: {  	_ =	shalt  }
0x67: {  	_ =	shalt  }
0x68: {  	_ =	shalt  }
0x69: {  	_ =	shalt  }
0x6a: {  	_ =	shalt  }
0x6b: {  	_ =	shalt  }
0x6c: {  	_ =	shalt  }
0x6d: {  	_ =	shalt  }
0x6e: {  	_ =	shalt  }
0x6f: {  	_ =	shalt  }
0x70: {  	_ =	shalt  }
0x71: {  	_ =	shalt  }
0x72: {  	_ =	shalt  }
0x73: {  	_ =	shalt  }
0x74: {  	_ =	shalt  }
0x75: {  	_ =	shalt  }
0x76: {  	_ =	shalt  }
0x77: {  	_ =	shalt  }
0x78: {  	_ =	shalt  }
0x79: {  	_ =	shalt  }
0x7a: {  	_ =	shalt  }
0x7b: {  	_ =	shalt  }
0x7c: {  	_ =	shalt  }
0x7d: {  	_ =	shalt  }
0x7e: {  	_ =	shalt  }
0x7f: {  	_ =	shalt  }
0x80: {  	_ =	shalt  }
0x81: {  	_ =	shalt  }
0x82: {  	_ =	shalt  }
0x83: {  	_ =	shalt  }
0x84: {  	_ =	shalt  }
0x85: {  	_ =	shalt  }
0x86: {  	_ =	shalt  }
0x87: {  	_ =	shalt  }
.Lfunc_end0:
.L_simem_size_0:
called_computation_lowered:
.L_overlay_start_0:
0x88: {  	s2 =	sld [smem:$0x3FD9]  }
0x89: {  	s3 =	sld [smem:$0x3FFE];
	_ =	sdelay $0x1  }
0x8a: {  	s1 =	srdreg.scid  }
0x8b: {  	s0 =	sand.u32 $0x1, s1  }
0x8c: {  	s14 =	sshll.u32 s0, $0xA;
	s2 =	sadd.s32 s3, s2  }
0x8d: {  	s2 =	sadd.s32 s2, s14  }
0x8e: {  	[smem:$0x3FC6] =	sst s2  }
0x8f: {  	_ = 	snop  }
0x90: {  	s2 =	sld [smem:$0x3FD0];
	_ =	sdelay $0x2  }
0x91: {  	s15 =	simm.s32 $0xA;
	s4 =	simm.s32 $0x10  }
0x92: {  	[smem:s4], [sflag:s15] =	dma.local [hbm:s2], $0x1  }
0x93: {  	_ =	swait.eq [sflag:s15], $0x1  }
0x94: {  	[sflag:s15] =	ssyncset.done $0x0  }
0x95: {  	[sflag:s15] =	ssyncadd.s32 $0xFFFFFFFF  }
0x96: {  	s16 =	sld [smem:$0x10];
	(tm) =	ssettm $0x1  }
0x97: {  	s17 =	sld [smem:$0x3FFB];
	_ =	sdelay $0x3  }
0x98: {  	_ =	strace s17  }
0x99: {  	s3 =	sld [smem:$0x3FFC];
	_ =	sdelay $0x3  }
0x9a: {  	_ =	strace s3  }
0x9b: {  	s3 =	sld [smem:$0x3FFD];
	_ =	sdelay $0x3  }
0x9c: {  	_ =	strace s3  }
0x9d: {  	_ =	strace $0x8FFFFFFF  }
0x9e: {  	s18 =	sld [smem:$0x3FDB];
	_ =	sdelay $0x1  }
0x9f: {  	s19 =	simm.s32 $_scs_section_size  }
0xa0: {  	s5 =	simm.s32 $_size__tile_overlayer_lowered;
	s6 =	simm.s32 $_tile_overlayer_lowered  }
0xa1: {  	s22 =	simm.s32 $0x1BFF;
	s21 =	sshll.u32 s6, $0x1;
	s3 =	sadd.s32 s19, s18  }
0xa2: {  	s7 =	simm.s32 $0x0;
	s20 =	sshll.u32 s5, $0x1;
	s5 =	sadd.s32 s21, s3  }
0xa3: {  	[timem:s7], [sflag:s22] =	dma.local [hbm:s5], s20  }
0xa4: {  	_ =	swait.ge [sflag:s22], s20  }
0xa5: {  	s4 =	ssub.s32 $0x0, s20;
	[sflag:s22] =	ssyncset.done $0x0  }
0xa6: {  	[sflag:s22] =	ssyncadd.s32 s4;
	_ =	sdelay $0x1  }
0xa7: {  	s23 =	simm.s32 $0x1B8B  }
0xa8: {  	_ =	swait.ge [sflag:s23], $0x1  }
0xa9: {  	[sflag:s23] =	ssyncset.done $0x0  }
0xaa: {  	s25 =	simm.s32 $0x1B8E;
	s24 =	sld [smem:$0x3FFE];
	[sflag:s23] =	ssyncadd.s32 $0xFFFFFFFF  }
0xab: {  	s26 =	simm.s32 $execute0_lowered;
	[smem:$0x3FD2] =	sst s25  }
0xac: {  	s5 =	sshll.u32 s26, $0x1;
	_ =	strace $0x80000046;
	[dreg:$0x1] =	wrdreg $0xFFFFFFFF  }
0xad: {  	s28 =	simm.s32 $_size_execute0_lowered;
	s3 =	sadd.s32 s3, s5;
	[dreg:$0x0] =	wrdreg $0x0  }
0xae: {  	s5 =	sshll.u32 s28, $0x1;
	[dreg:$0x2] =	wrdreg s3  }
0xaf: {  	[dreg:$0x3] =	wrdreg s5  }
0xb0: {  	[dreg:$0x4] =	wrdreg $0xC0  }
0xb1: {  	_ =	task [dreg:s7], $0x5FFFF  }
0xb2: {  	[dreg:$0x1] =	wrdreg $0xFFFFFFFF  }
0xb3: {  	[dreg:$0x0] =	wrdreg $0x60  }
0xb4: {  	[dreg:$0x2] =	wrdreg s24  }
0xb5: {  	[dreg:$0x3] =	wrdreg s16  }
0xb6: {  	[dreg:$0x4] =	wrdreg $0x9  }
0xb7: {  	_ =	task.clear_ibuf [dreg:s7], $0x5FFFF;
	_ =	strace $0x90000046  }
0xb8: {  	s29 =	simm.s32 $0x9;
	_ =	strace $0x80000048  }
0xb9: {  	_ =	swait.ge [sflag:s29], $0x1  }
0xba: {  	[sflag:s29] =	ssyncadd.s32 $0xFFFFFFFF  }
0xbb: {  	_ =	strace $0x90000048  }
0xbc: {  	_ =	sfence  }
0xbd: {  	s30 =	sld [smem:$0x0];
	_ =	sdelay $0x2  }
0xbe: {  	s31 =	sshll.u32 s1, $0xD;
	s1 =	sshrl.u32 s1, $0x2  }
0xbf: {  	s3 =	sand.u32 $0x4000, s31;
	s1 =	sadd.s32 s1, s30  }
0xc0: {  	s0 =	sor.u32 s3, s0;
	s1 =	sshll.u32 s1, $0x11  }
0xc1: {  	s0 =	sor.u32 s1, s0  }
0xc2: {  	s0 =	sadd.s32 $0x8F2B, s0  }
0xc3: {  	[sflag:s0] =	ssyncadd.remote.s32 $0x1  }
0xc4: {  	_ =	sfence.sel $0xFFFF  }
0xc5: {  	[dreg:$0x0] =	wrdreg $0xFFFFFFFF;
	(pc) =	sbr.abs _section_cstart, $3  }
0xc6: {  	[dreg:$0x1] =	wrdreg $0xFFFFFFFF  }
0xc7: {  	_ =	task.clear_ibuf [dreg:s7], $0x2FFFF;
	_ =	strace $0x9FFFFFFF  }
0xc8: {  	(tm) =	ssettm $0x7FFFFFFF  }
0xc9: {  	_ =	shalt  }
tec
execute0_lowered:
.L_overlay_start_1:
0x0: {  	(tag) =	ssettag $0x1  }
0x1: {  	s1 =	srdreg.scid  }
0x2: {  	s2 =	rddreg [dreg:$0x0];
	s0 =	stileid.u32;
	s23 =	sand.u32 $0x1, s1  }
0x3: {  	s22 =	rddreg [dreg:$0x1];
	s4 =	sshll.u32 s0, $0xC;
	s5 =	sshll.u32 s23, $0xB  }
0x4: {  	s3 =	simm.s32 $0x0;
	s1 =	rddreg [dreg:$0x2];
	s24 =	sor.u32 s5, s4  }
0x5: {  	[smem:$0x7FF] =	sst s3;
	s21 =	sadd.s32 $0x2000, s2;
	s4 =	sshrl.u32 s24, $0x3  }
0x6: {  	_ =	strace $0x80000047;
	s5 =	sadd.s32 s21, s4;
	s4 =	simm.s32 $0x2  }
0x7: {  	[tilespmem:s3], [sflag:$0x2] =	stream.linear.gather [hbm4b:s5+s3], $0x100, $0x38;
	[tilespmem:$0x8100] =	vst v63  }
0x8: {  	_ =	swait.ge [sflag:s4], $0x100  }
0x9: {  	[sflag:s4] =	ssyncset.done $0x0  }
0xa: {  	s6 =	simm.s32 $0x100;
	s7 =	simm.s32 $0x1;
	[sflag:s4] =	ssyncadd.s32 $0xFFFFFF00  }
0xb: {  	[tilespmem:s6], [sflag:$0x1] =	stream.indirect.gather [hbm4b:s2+s6], $0x80, s3, s6, $0xb8;
	[tilespmem:$0x8100] =	vst v63  }
0xc: {  	_ =	swait.ge [sflag:s7], $0x8000  }
0xd: {  	s8 =	sshll.u32 s24, $0x4;
	[sflag:s7] =	ssyncset.done $0x0  }
0xe: {  	s8 =	sadd.s32 s22, s8;
	[sflag:s7] =	ssyncadd.s32 $0xFFFF8000  }
0xf: {  	[hbm4b:s8+s3] =	stream.linear.scatter [tilespmem:s6], [sflag:$0x2], $0x8000, $0x38;
	[tilespmem:$0x8100] =	vst v63  }
0x10: {  	s10 =	sor.u32 $0x100, s24;
	_ =	swait.ge [sflag:s4], $0x8000  }
0x11: {  	s9 =	sshrl.u32 s10, $0x3;
	[sflag:s4] =	ssyncset.done $0x0  }
0x12: {  	s9 =	sadd.s32 s21, s9;
	[sflag:s4] =	ssyncadd.s32 $0xFFFF8000  }
0x13: {  	[tilespmem:s3], [sflag:$0x2] =	stream.linear.gather [hbm4b:s9+s3], $0x100, $0x38;
	[tilespmem:$0x8100] =	vst v63  }
0x14: {  	_ =	swait.ge [sflag:s4], $0x100  }
0x15: {  	[sflag:s4] =	ssyncset.done $0x0  }
0x16: {  	[sflag:s4] =	ssyncadd.s32 $0xFFFFFF00  }
0x17: {  	[tilespmem:s6], [sflag:$0x1] =	stream.indirect.gather [hbm4b:s2+s6], $0x80, s3, s6, $0xb8;
	[tilespmem:$0x8100] =	vst v63  }
0x18: {  	_ =	swait.ge [sflag:s7], $0x8000  }
0x19: {  	s10 =	sshll.u32 s10, $0x4;
	[sflag:s7] =	ssyncset.done $0x0  }
0x1a: {  	s10 =	sadd.s32 s22, s10;
	[sflag:s7] =	ssyncadd.s32 $0xFFFF8000  }
0x1b: {  	[hbm4b:s10+s3] =	stream.linear.scatter [tilespmem:s6], [sflag:$0x2], $0x8000, $0x38;
	[tilespmem:$0x8100] =	vst v63  }
0x1c: {  	s12 =	sor.u32 $0x200, s24;
	_ =	swait.ge [sflag:s4], $0x8000  }
0x1d: {  	s11 =	sshrl.u32 s12, $0x3;
	[sflag:s4] =	ssyncset.done $0x0  }
0x1e: {  	s11 =	sadd.s32 s21, s11;
	[sflag:s4] =	ssyncadd.s32 $0xFFFF8000  }
0x1f: {  	[tilespmem:s3], [sflag:$0x2] =	stream.linear.gather [hbm4b:s11+s3], $0x100, $0x38;
	[tilespmem:$0x8100] =	vst v63  }
0x20: {  	_ =	swait.ge [sflag:s4], $0x100  }
0x21: {  	[sflag:s4] =	ssyncset.done $0x0  }
0x22: {  	[sflag:s4] =	ssyncadd.s32 $0xFFFFFF00  }
0x23: {  	[tilespmem:s6], [sflag:$0x1] =	stream.indirect.gather [hbm4b:s2+s6], $0x80, s3, s6, $0xb8;
	[tilespmem:$0x8100] =	vst v63  }
0x24: {  	_ =	swait.ge [sflag:s7], $0x8000  }
0x25: {  	s12 =	sshll.u32 s12, $0x4;
	[sflag:s7] =	ssyncset.done $0x0  }
0x26: {  	s12 =	sadd.s32 s22, s12;
	[sflag:s7] =	ssyncadd.s32 $0xFFFF8000  }
0x27: {  	[hbm4b:s12+s3] =	stream.linear.scatter [tilespmem:s6], [sflag:$0x2], $0x8000, $0x38;
	[tilespmem:$0x8100] =	vst v63  }
0x28: {  	s14 =	sor.u32 $0x300, s24;
	_ =	swait.ge [sflag:s4], $0x8000  }
0x29: {  	s13 =	sshrl.u32 s14, $0x3;
	[sflag:s4] =	ssyncset.done $0x0  }
0x2a: {  	s13 =	sadd.s32 s21, s13;
	[sflag:s4] =	ssyncadd.s32 $0xFFFF8000  }
0x2b: {  	[tilespmem:s3], [sflag:$0x2] =	stream.linear.gather [hbm4b:s13+s3], $0x100, $0x38;
	[tilespmem:$0x8100] =	vst v63  }
0x2c: {  	_ =	swait.ge [sflag:s4], $0x100  }
0x2d: {  	[sflag:s4] =	ssyncset.done $0x0  }
0x2e: {  	[sflag:s4] =	ssyncadd.s32 $0xFFFFFF00  }
0x2f: {  	[tilespmem:s6], [sflag:$0x1] =	stream.indirect.gather [hbm4b:s2+s6], $0x80, s3, s6, $0xb8;
	[tilespmem:$0x8100] =	vst v63  }
0x30: {  	_ =	swait.ge [sflag:s7], $0x8000  }
0x31: {  	s14 =	sshll.u32 s14, $0x4;
	[sflag:s7] =	ssyncset.done $0x0  }
0x32: {  	s14 =	sadd.s32 s22, s14;
	[sflag:s7] =	ssyncadd.s32 $0xFFFF8000  }
0x33: {  	[hbm4b:s14+s3] =	stream.linear.scatter [tilespmem:s6], [sflag:$0x2], $0x8000, $0x38;
	[tilespmem:$0x8100] =	vst v63  }
0x34: {  	s16 =	sor.u32 $0x400, s24;
	_ =	swait.ge [sflag:s4], $0x8000  }
0x35: {  	s15 =	sshrl.u32 s16, $0x3;
	[sflag:s4] =	ssyncset.done $0x0  }
0x36: {  	s15 =	sadd.s32 s21, s15;
	[sflag:s4] =	ssyncadd.s32 $0xFFFF8000  }
0x37: {  	[tilespmem:s3], [sflag:$0x2] =	stream.linear.gather [hbm4b:s15+s3], $0x100, $0x38;
	[tilespmem:$0x8100] =	vst v63  }
0x38: {  	_ =	swait.ge [sflag:s4], $0x100  }
0x39: {  	[sflag:s4] =	ssyncset.done $0x0  }
0x3a: {  	[sflag:s4] =	ssyncadd.s32 $0xFFFFFF00  }
0x3b: {  	[tilespmem:s6], [sflag:$0x1] =	stream.indirect.gather [hbm4b:s2+s6], $0x80, s3, s6, $0xb8;
	[tilespmem:$0x8100] =	vst v63  }
0x3c: {  	_ =	swait.ge [sflag:s7], $0x8000  }
0x3d: {  	s16 =	sshll.u32 s16, $0x4;
	[sflag:s7] =	ssyncset.done $0x0  }
0x3e: {  	s16 =	sadd.s32 s22, s16;
	[sflag:s7] =	ssyncadd.s32 $0xFFFF8000  }
0x3f: {  	[hbm4b:s16+s3] =	stream.linear.scatter [tilespmem:s6], [sflag:$0x2], $0x8000, $0x38;
	[tilespmem:$0x8100] =	vst v63  }
0x40: {  	s18 =	sor.u32 $0x500, s24;
	_ =	swait.ge [sflag:s4], $0x8000  }
0x41: {  	s17 =	sshrl.u32 s18, $0x3;
	[sflag:s4] =	ssyncset.done $0x0  }
0x42: {  	s17 =	sadd.s32 s21, s17;
	[sflag:s4] =	ssyncadd.s32 $0xFFFF8000  }
0x43: {  	[tilespmem:s3], [sflag:$0x2] =	stream.linear.gather [hbm4b:s17+s3], $0x100, $0x38;
	[tilespmem:$0x8100] =	vst v63  }
0x44: {  	_ =	swait.ge [sflag:s4], $0x100  }
0x45: {  	[sflag:s4] =	ssyncset.done $0x0  }
0x46: {  	[sflag:s4] =	ssyncadd.s32 $0xFFFFFF00  }
0x47: {  	[tilespmem:s6], [sflag:$0x1] =	stream.indirect.gather [hbm4b:s2+s6], $0x80, s3, s6, $0xb8;
	[tilespmem:$0x8100] =	vst v63  }
0x48: {  	_ =	swait.ge [sflag:s7], $0x8000  }
0x49: {  	s18 =	sshll.u32 s18, $0x4;
	[sflag:s7] =	ssyncset.done $0x0  }
0x4a: {  	s18 =	sadd.s32 s22, s18;
	[sflag:s7] =	ssyncadd.s32 $0xFFFF8000  }
0x4b: {  	[hbm4b:s18+s3] =	stream.linear.scatter [tilespmem:s6], [sflag:$0x2], $0x8000, $0x38;
	[tilespmem:$0x8100] =	vst v63  }
0x4c: {  	s20 =	sor.u32 $0x600, s24;
	_ =	swait.ge [sflag:s4], $0x8000  }
0x4d: {  	s19 =	sshrl.u32 s20, $0x3;
	[sflag:s4] =	ssyncset.done $0x0  }
0x4e: {  	s19 =	sadd.s32 s21, s19;
	[sflag:s4] =	ssyncadd.s32 $0xFFFF8000  }
0x4f: {  	[tilespmem:s3], [sflag:$0x2] =	stream.linear.gather [hbm4b:s19+s3], $0x100, $0x38;
	[tilespmem:$0x8100] =	vst v63  }
0x50: {  	_ =	swait.ge [sflag:s4], $0x100  }
0x51: {  	[sflag:s4] =	ssyncset.done $0x0  }
0x52: {  	[sflag:s4] =	ssyncadd.s32 $0xFFFFFF00  }
0x53: {  	[tilespmem:s6], [sflag:$0x1] =	stream.indirect.gather [hbm4b:s2+s6], $0x80, s3, s6, $0xb8;
	[tilespmem:$0x8100] =	vst v63  }
0x54: {  	_ =	swait.ge [sflag:s7], $0x8000  }
0x55: {  	s20 =	sshll.u32 s20, $0x4;
	[sflag:s7] =	ssyncset.done $0x0  }
0x56: {  	s20 =	sadd.s32 s22, s20;
	[sflag:s7] =	ssyncadd.s32 $0xFFFF8000  }
0x57: {  	[hbm4b:s20+s3] =	stream.linear.scatter [tilespmem:s6], [sflag:$0x2], $0x8000, $0x38;
	[tilespmem:$0x8100] =	vst v63  }
0x58: {  	s24 =	sor.u32 $0x700, s24;
	_ =	swait.ge [sflag:s4], $0x8000  }
0x59: {  	s25 =	sshrl.u32 s24, $0x3;
	[sflag:s4] =	ssyncset.done $0x0  }
0x5a: {  	s23 =	ssub.s32 $0x2, s23;
	s21 =	sadd.s32 s21, s25;
	[sflag:s4] =	ssyncadd.s32 $0xFFFF8000  }
0x5b: {  	[tilespmem:s3], [sflag:$0x2] =	stream.linear.gather [hbm4b:s21+s3], $0x100, $0x38;
	[tilespmem:$0x8100] =	vst v63  }
0x5c: {  	s31 =	sshrl.u32 s23, $0x1;
	_ =	swait.ge [sflag:s4], $0x100  }
0x5d: {  	s23 =	ssub.s32 s23, s31;
	[sflag:s4] =	ssyncset.done $0x0  }
0x5e: {  	s23 =	smax.u32 s23, $0x1;
	[sflag:s4] =	ssyncadd.s32 $0xFFFFFF00  }
0x5f: {  	[tilespmem:s6], [sflag:$0x1] =	stream.indirect.gather [hbm4b:s2+s6], $0x80, s3, s6, $0xb8;
	[tilespmem:$0x8100] =	vst v63  }
0x60: {  	p0 =	sne.s32 s23, $0x1;
	_ =	swait.ge [sflag:s7], $0x8000  }
.Ltmp0:
0x61: {  	s24 =	sshll.u32 s24, $0x4;
	[sflag:s7] =	ssyncset.done $0x0;
	(pc) =	sbr.rel @!p0 .LBB2_2-.Ltmp0, $4  }
0x62: {  	s22 =	sadd.s32 s22, s24;
	[sflag:s7] =	ssyncadd.s32 $0xFFFF8000  }
0x63: {  	[hbm4b:s22+s3] =	stream.linear.scatter [tilespmem:s6], [sflag:$0x2], $0x8000, $0x38;
	[tilespmem:$0x8100] =	vst v63  }
0x64: {  	_ =	swait.ge [sflag:s4], $0x8000  }
0x65: {  	s23 =	sadd.s32 $0xFFFFFFFF, s23;
	[sflag:s4] =	ssyncset.done $0x0  }
.LBB2_1:
0x66: {  	p0 =	sne.s32 s23, $0x1;
	s23 =	sadd.s32 $0xFFFFFFFF, s23;
	[sflag:s4] =	ssyncadd.s32 $0xFFFF8000  }
0x67: {  	[tilespmem:s3], [sflag:$0x2] =	stream.linear.gather [hbm4b:s5+s3], $0x100, $0x38;
	[tilespmem:$0x8100] =	vst v63  }
0x68: {  	_ =	swait.ge [sflag:s4], $0x100  }
0x69: {  	[sflag:s4] =	ssyncset.done $0x0  }
0x6a: {  	[sflag:s4] =	ssyncadd.s32 $0xFFFFFF00  }
0x6b: {  	[tilespmem:s6], [sflag:$0x1] =	stream.indirect.gather [hbm4b:s2+s6], $0x80, s3, s6, $0xb8;
	[tilespmem:$0x8100] =	vst v63  }
0x6c: {  	_ =	swait.ge [sflag:s7], $0x8000  }
0x6d: {  	[sflag:s7] =	ssyncset.done $0x0  }
0x6e: {  	[sflag:s7] =	ssyncadd.s32 $0xFFFF8000  }
0x6f: {  	[hbm4b:s8+s3] =	stream.linear.scatter [tilespmem:s6], [sflag:$0x2], $0x8000, $0x38;
	[tilespmem:$0x8100] =	vst v63  }
0x70: {  	_ =	swait.ge [sflag:s4], $0x8000  }
0x71: {  	[sflag:s4] =	ssyncset.done $0x0  }
0x72: {  	[sflag:s4] =	ssyncadd.s32 $0xFFFF8000  }
0x73: {  	[tilespmem:s3], [sflag:$0x2] =	stream.linear.gather [hbm4b:s9+s3], $0x100, $0x38;
	[tilespmem:$0x8100] =	vst v63  }
0x74: {  	_ =	swait.ge [sflag:s4], $0x100  }
0x75: {  	[sflag:s4] =	ssyncset.done $0x0  }
0x76: {  	[sflag:s4] =	ssyncadd.s32 $0xFFFFFF00  }
0x77: {  	[tilespmem:s6], [sflag:$0x1] =	stream.indirect.gather [hbm4b:s2+s6], $0x80, s3, s6, $0xb8;
	[tilespmem:$0x8100] =	vst v63  }
0x78: {  	_ =	swait.ge [sflag:s7], $0x8000  }
0x79: {  	[sflag:s7] =	ssyncset.done $0x0  }
0x7a: {  	[sflag:s7] =	ssyncadd.s32 $0xFFFF8000  }
0x7b: {  	[hbm4b:s10+s3] =	stream.linear.scatter [tilespmem:s6], [sflag:$0x2], $0x8000, $0x38;
	[tilespmem:$0x8100] =	vst v63  }
0x7c: {  	_ =	swait.ge [sflag:s4], $0x8000  }
0x7d: {  	[sflag:s4] =	ssyncset.done $0x0  }
0x7e: {  	[sflag:s4] =	ssyncadd.s32 $0xFFFF8000  }
0x7f: {  	[tilespmem:s3], [sflag:$0x2] =	stream.linear.gather [hbm4b:s11+s3], $0x100, $0x38;
	[tilespmem:$0x8100] =	vst v63  }
0x80: {  	_ =	swait.ge [sflag:s4], $0x100  }
0x81: {  	[sflag:s4] =	ssyncset.done $0x0  }
0x82: {  	[sflag:s4] =	ssyncadd.s32 $0xFFFFFF00  }
0x83: {  	[tilespmem:s6], [sflag:$0x1] =	stream.indirect.gather [hbm4b:s2+s6], $0x80, s3, s6, $0xb8;
	[tilespmem:$0x8100] =	vst v63  }
0x84: {  	_ =	swait.ge [sflag:s7], $0x8000  }
0x85: {  	[sflag:s7] =	ssyncset.done $0x0  }
0x86: {  	[sflag:s7] =	ssyncadd.s32 $0xFFFF8000  }
0x87: {  	[hbm4b:s12+s3] =	stream.linear.scatter [tilespmem:s6], [sflag:$0x2], $0x8000, $0x38;
	[tilespmem:$0x8100] =	vst v63  }
0x88: {  	_ =	swait.ge [sflag:s4], $0x8000  }
0x89: {  	[sflag:s4] =	ssyncset.done $0x0  }
0x8a: {  	[sflag:s4] =	ssyncadd.s32 $0xFFFF8000  }
0x8b: {  	[tilespmem:s3], [sflag:$0x2] =	stream.linear.gather [hbm4b:s13+s3], $0x100, $0x38;
	[tilespmem:$0x8100] =	vst v63  }
0x8c: {  	_ =	swait.ge [sflag:s4], $0x100  }
0x8d: {  	[sflag:s4] =	ssyncset.done $0x0  }
0x8e: {  	[sflag:s4] =	ssyncadd.s32 $0xFFFFFF00  }
0x8f: {  	[tilespmem:s6], [sflag:$0x1] =	stream.indirect.gather [hbm4b:s2+s6], $0x80, s3, s6, $0xb8;
	[tilespmem:$0x8100] =	vst v63  }
0x90: {  	_ =	swait.ge [sflag:s7], $0x8000  }
0x91: {  	[sflag:s7] =	ssyncset.done $0x0  }
0x92: {  	[sflag:s7] =	ssyncadd.s32 $0xFFFF8000  }
0x93: {  	[hbm4b:s14+s3] =	stream.linear.scatter [tilespmem:s6], [sflag:$0x2], $0x8000, $0x38;
	[tilespmem:$0x8100] =	vst v63  }
0x94: {  	_ =	swait.ge [sflag:s4], $0x8000  }
0x95: {  	[sflag:s4] =	ssyncset.done $0x0  }
0x96: {  	[sflag:s4] =	ssyncadd.s32 $0xFFFF8000  }
0x97: {  	[tilespmem:s3], [sflag:$0x2] =	stream.linear.gather [hbm4b:s15+s3], $0x100, $0x38;
	[tilespmem:$0x8100] =	vst v63  }
0x98: {  	_ =	swait.ge [sflag:s4], $0x100  }
0x99: {  	[sflag:s4] =	ssyncset.done $0x0  }
0x9a: {  	[sflag:s4] =	ssyncadd.s32 $0xFFFFFF00  }
0x9b: {  	[tilespmem:s6], [sflag:$0x1] =	stream.indirect.gather [hbm4b:s2+s6], $0x80, s3, s6, $0xb8;
	[tilespmem:$0x8100] =	vst v63  }
0x9c: {  	_ =	swait.ge [sflag:s7], $0x8000  }
0x9d: {  	[sflag:s7] =	ssyncset.done $0x0  }
0x9e: {  	[sflag:s7] =	ssyncadd.s32 $0xFFFF8000  }
0x9f: {  	[hbm4b:s16+s3] =	stream.linear.scatter [tilespmem:s6], [sflag:$0x2], $0x8000, $0x38;
	[tilespmem:$0x8100] =	vst v63  }
0xa0: {  	_ =	swait.ge [sflag:s4], $0x8000  }
0xa1: {  	[sflag:s4] =	ssyncset.done $0x0  }
0xa2: {  	[sflag:s4] =	ssyncadd.s32 $0xFFFF8000  }
0xa3: {  	[tilespmem:s3], [sflag:$0x2] =	stream.linear.gather [hbm4b:s17+s3], $0x100, $0x38;
	[tilespmem:$0x8100] =	vst v63  }
0xa4: {  	_ =	swait.ge [sflag:s4], $0x100  }
0xa5: {  	[sflag:s4] =	ssyncset.done $0x0  }
0xa6: {  	[sflag:s4] =	ssyncadd.s32 $0xFFFFFF00  }
0xa7: {  	[tilespmem:s6], [sflag:$0x1] =	stream.indirect.gather [hbm4b:s2+s6], $0x80, s3, s6, $0xb8;
	[tilespmem:$0x8100] =	vst v63  }
0xa8: {  	_ =	swait.ge [sflag:s7], $0x8000  }
0xa9: {  	[sflag:s7] =	ssyncset.done $0x0  }
0xaa: {  	[sflag:s7] =	ssyncadd.s32 $0xFFFF8000  }
0xab: {  	[hbm4b:s18+s3] =	stream.linear.scatter [tilespmem:s6], [sflag:$0x2], $0x8000, $0x38;
	[tilespmem:$0x8100] =	vst v63  }
0xac: {  	_ =	swait.ge [sflag:s4], $0x8000  }
0xad: {  	[sflag:s4] =	ssyncset.done $0x0  }
0xae: {  	[sflag:s4] =	ssyncadd.s32 $0xFFFF8000  }
0xaf: {  	[tilespmem:s3], [sflag:$0x2] =	stream.linear.gather [hbm4b:s19+s3], $0x100, $0x38;
	[tilespmem:$0x8100] =	vst v63  }
0xb0: {  	_ =	swait.ge [sflag:s4], $0x100  }
0xb1: {  	[sflag:s4] =	ssyncset.done $0x0  }
0xb2: {  	[sflag:s4] =	ssyncadd.s32 $0xFFFFFF00  }
0xb3: {  	[tilespmem:s6], [sflag:$0x1] =	stream.indirect.gather [hbm4b:s2+s6], $0x80, s3, s6, $0xb8;
	[tilespmem:$0x8100] =	vst v63  }
0xb4: {  	_ =	swait.ge [sflag:s7], $0x8000  }
0xb5: {  	[sflag:s7] =	ssyncset.done $0x0  }
0xb6: {  	[sflag:s7] =	ssyncadd.s32 $0xFFFF8000  }
0xb7: {  	[hbm4b:s20+s3] =	stream.linear.scatter [tilespmem:s6], [sflag:$0x2], $0x8000, $0x38;
	[tilespmem:$0x8100] =	vst v63  }
0xb8: {  	_ =	swait.ge [sflag:s4], $0x8000  }
0xb9: {  	[sflag:s4] =	ssyncset.done $0x0  }
0xba: {  	[sflag:s4] =	ssyncadd.s32 $0xFFFF8000  }
0xbb: {  	[tilespmem:s3], [sflag:$0x2] =	stream.linear.gather [hbm4b:s21+s3], $0x100, $0x38;
	[tilespmem:$0x8100] =	vst v63  }
0xbc: {  	_ =	swait.ge [sflag:s4], $0x100  }
0xbd: {  	[sflag:s4] =	ssyncset.done $0x0  }
0xbe: {  	[sflag:s4] =	ssyncadd.s32 $0xFFFFFF00  }
0xbf: {  	[tilespmem:s6], [sflag:$0x1] =	stream.indirect.gather [hbm4b:s2+s6], $0x80, s3, s6, $0xb8;
	[tilespmem:$0x8100] =	vst v63  }
0xc0: {  	_ =	swait.ge [sflag:s7], $0x8000  }
.Ltmp1:
0xc1: {  	[sflag:s7] =	ssyncset.done $0x0;
	(pc) =	sbr.rel @p0 .LBB2_1-.Ltmp1, $4  }
0xc2: {  	[sflag:s7] =	ssyncadd.s32 $0xFFFF8000  }
0xc3: {  	[hbm4b:s22+s3] =	stream.linear.scatter [tilespmem:s6], [sflag:$0x2], $0x8000, $0x38;
	[tilespmem:$0x8100] =	vst v63  }
0xc4: {  	_ =	swait.ge [sflag:s4], $0x8000  }
0xc5: {  	[sflag:s4] =	ssyncset.done $0x0  }
.LBB2_2:
0xc6: {  	[sflag:s4] =	ssyncadd.s32 $0xFFFF8000  }
0xc7: {  	_ =	sfence.sel $0x180000  }
0xc8: {  	[bflag:$0x0] =	sbarrier.arrive $0xFFFF  }
0xc9: {  	p0 =	sne.s32 s0, $0x0;
	_ =	strace $0x90000047  }
0xca: {  	s0 =	sadd.s32 @!p0 $0x100000, s1;
	[bflag:$0x2] =	sbarrier.arrive $0xFFFF  }
0xcb: {  	[sflag:s0] =	ssyncadd.tile.s32 @!p0 $0x1;
	_ =	shalt  }
.Lfunc_end2:
_tile_overlayer_lowered:
.L_overlay_start_2:
0xcc: {  	(tag) =	ssettag $0x2  }
0xcd: {  	s0 =	rddreg [dreg:$0x0];
	s2 =	stileid.u32  }
0xce: {  	s1 =	rddreg [dreg:$0x1];
	p0 =	sne.s32 s2, $0x0  }
0xcf: {  	s3 =	rddreg [dreg:$0x2];
	[bflag:$0x3] =	sbarrier.arrive $0xFFFF;
	s2 =	simm.s32 @!p0 $0x1C02  }
0xd0: {  	[timem:s3], [sflag:s2] =	dma.local @!p0 [hbm:s0], s1  }
0xd1: {  	s0 =	simm.s32 @!p0 $0x2  }
0xd2: {  	_ =	swait.ge @!p0 [sflag:s0], s1  }
0xd3: {  	s1 =	ssub.s32 @!p0 $0x0, s1;
	[sflag:s0] =	ssyncset.done @!p0 $0x0  }
0xd4: {  	[sflag:s0] =	ssyncadd.s32 @!p0 s1  }
0xd5: {  	[bflag:$0x3] =	sbarrier.arrive $0xFFFF  }
0xd6: {  	_ =	shalt  }

</sc_bundles>
